<compile_context>
chip_gen: v7x
topology: tpu7x:2x2x1
jax: 0.10.2.dev20260603
libtpu: 0.0.44.dev20260713+nightly
codegen_flags: <defaults>
</compile_context>

<pallas_src>
import functools

import jax
import jax.numpy as jnp
import numpy as np
from jax import lax
from jax.experimental import pallas as pl
from jax.experimental.pallas import tpu as pltpu
from jax.experimental.pallas import tpu_sc as plsc

RESOLUTION = 1000
D = 64
B = 16384
S = 26
N = B * S

NC = 2
NS = 16
NW = NC * NS
BPW = B // NW
PER_W = N // NW
LANES = 16

DT = D // 8
BT = B // 128
BT_W = BT // NW
NG = 128 // LANES

PE_STRIDE = RESOLUTION + 1
BUF_MINOR = 129


def _body(idx_hbm, peT_hbm, out_hbm, idx_v, pe_v, buf0, buf1,
          wsem0, wsem1):
    wid = lax.axis_index("s") * NC + lax.axis_index("c")
    base = wid * PER_W

    pltpu.sync_copy(peT_hbm, pe_v)
    pltpu.sync_copy(idx_hbm.at[pl.ds(base, PER_W)], idx_v.at[pl.ds(0, PER_W)])

    lanes = lax.iota(jnp.int32, LANES)
    lane_pe = lanes * PE_STRIDE
    idx_dl = lanes & 7
    idx_dts = [(lanes >> 3) + tp * 2 for tp in range(D // LANES)]

    def wait_write(buf, wsem):
        pltpu.make_async_copy(
            buf.at[:, :, pl.ds(0, 128)], out_hbm.at[0, :, 0], wsem
        ).wait()

    def s_tile(t, buf, wsem, unroll):
        del unroll
        bt_l = t // S
        s = t % S
        bt = wid * BT_W + bt_l
        colbase = (bt_l * 128) * S + s

        @plsc.parallel_loop(0, 128)
        def col_fill(bl):
            iv = idx_v[pl.ds(colbase + bl * S, LANES)]
            ib_vec = jnp.broadcast_to(iv[0], (LANES,))
            bl_vec = jnp.full((LANES,), 0, jnp.int32) + bl
            for tp in range(D // LANES):
                v = plsc.load_gather(
                    pe_v, [lane_pe + ib_vec + tp * LANES * PE_STRIDE]
                )
                plsc.store_scatter(buf, [idx_dts[tp], idx_dl, bl_vec], v)

        pltpu.async_copy(
            buf.at[:, :, pl.ds(0, 128)], out_hbm.at[s, :, bt], wsem
        )

    NT = BT_W * S
    bufs = (buf0, buf1)
    wsems = (wsem0, wsem1)
    NBUF = len(bufs)
    for j in range(NBUF):
        s_tile(j, bufs[j], wsems[j], unroll=False)

    def loop_body(g, carry):
        for j in range(NBUF):
            wait_write(bufs[j], wsems[j])
            s_tile(NBUF * g + j, bufs[j], wsems[j], unroll=False)
        return carry

    lax.fori_loop(1, NT // NBUF, loop_body, 0)
    for j in range(NBUF):
        wait_write(bufs[j], wsems[j])


@jax.jit
def _encode(idx_flat, peT_flat):
    mesh = plsc.VectorSubcoreMesh(
        core_axis_name="c", subcore_axis_name="s", num_cores=NC, num_subcores=NS
    )
    return pl.kernel(
        _body,
        out_type=jax.ShapeDtypeStruct((S, DT, BT, 8, 128), jnp.float32),
        mesh=mesh,
        scratch_types=[
            pltpu.VMEM((PER_W + LANES,), jnp.int32),
            pltpu.VMEM((PE_STRIDE * D,), jnp.float32),
            pltpu.VMEM((DT, 8, BUF_MINOR), jnp.float32),
            pltpu.VMEM((DT, 8, BUF_MINOR), jnp.float32),
            pltpu.SemaphoreType.DMA,
            pltpu.SemaphoreType.DMA,
        ],
        compiler_params=pltpu.CompilerParams(
            use_tc_tiling_on_sc=False, needs_layout_passes=False
        ),
    )(idx_flat, peT_flat)


def kernel(x, pe):
    xc = jnp.clip(x, 1.0 / RESOLUTION, None)
    idx = jnp.round(xc * RESOLUTION).astype(jnp.int32) - 1
    peT_flat = jnp.pad(pe.T, ((0, 0), (0, 1))).reshape(PE_STRIDE * D)
    out5d = _encode(idx.reshape(N), peT_flat)
    return out5d.transpose(2, 4, 0, 1, 3).reshape(B, S, D)

# --- scband reference (transcript-rebuilt; emitter-appended) ---
"""Pipeline reference for scband-positional-encoder-72851235275252 (READ-ONLY COPY).

The authoritative reference and input builder live on the scoring server;
editing this copy changes nothing except your own understanding.
"""

import jax, jax.numpy as jnp
import numpy as np

D_MODEL = 128
RESOLUTION = 1000
DM = D_MODEL // 2

def _build_pe():
    x = jnp.linspace(0.0, RESOLUTION - 1, RESOLUTION).reshape(RESOLUTION, 1)
    fraction = jnp.tile(jnp.linspace(0.0, DM - 1, DM).reshape(1, DM), (RESOLUTION, 1))
    pe = jnp.zeros((RESOLUTION, DM), dtype=jnp.float32)
    pe = pe.at[:, 0::2].set(jnp.sin(x / jnp.power(50.0, 2.0 * fraction[:, 0::2] / DM)).astype(jnp.float32))
    pe = pe.at[:, 1::2].set(jnp.cos(x / jnp.power(50.0, 2.0 * fraction[:, 1::2] / DM)).astype(jnp.float32))
    return pe

def setup_inputs(seed: int = 0) -> dict:
    key = jax.random.key(seed)
    x = jax.random.uniform(key, (16384, 26), dtype=jnp.float32)
    pe = _build_pe()
    return {"x": x, "pe": pe}

def reference(x, pe):
    xc = jnp.clip(x, 1.0 / RESOLUTION, None)
    frac_idx = jnp.round(xc * RESOLUTION).astype(jnp.int32) - 1
    out = jnp.take(pe, frac_idx, axis=0)
    return out

if __name__ == "__main__":
    import jax
    _d = setup_inputs()
    print(jax.jit(kernel)(*tuple(_d.values())))

</pallas_src>

<mosaic_0001>
#map = affine_map<(d0, d1) -> (0)>
#map1 = affine_map<(d0, d1) -> (0, 0, 0, 0, 0)>
module attributes {stable_mosaic.version = 14 : i64} {
  func.func @_body(%arg0: i32, %arg1: i32, %arg2: memref<425984xi32, #tpu.memory_space<hbm>>, %arg3: memref<64064xf32, #tpu.memory_space<hbm>>, %arg4: memref<26x8x128x8x128xf32, #tpu.memory_space<hbm>>, %arg5: memref<13328xi32, #tpu.memory_space<vmem>>, %arg6: memref<64064xf32, #tpu.memory_space<vmem>>, %arg7: memref<8x8x129xf32, #tpu.memory_space<vmem>>, %arg8: memref<8x8x129xf32, #tpu.memory_space<vmem>>, %arg9: memref<!tpu.dma_semaphore, #tpu.memory_space<semaphore_mem>>, %arg10: memref<!tpu.dma_semaphore, #tpu.memory_space<semaphore_mem>>) attributes {dimension_semantics = [#tpu.dimension_semantics<core_parallel>, #tpu.dimension_semantics<subcore_parallel>], iteration_bounds = array<i64: 2, 16>, scalar_prefetch = 0 : i64, scratch_operands = 6 : i64, tpu.core_type = #tpu.core_type<sc_vector_subcore>, window_params = [{transform_indices = #map}, {transform_indices = #map}, {transform_indices = #map1}]} {
    %mul3A = arith.constant 2 : i32
    %mul3A_0 = arith.muli %arg1, %mul3A : i32
    %add3A = arith.addi %mul3A_0, %arg0 : i32
    %mul3A_1 = arith.constant 13312 : i32
    %mul3A_2 = arith.muli %add3A, %mul3A_1 : i32
    "tpu.region"() ({
      %run_scoped3A = tpu.sem_alloc : memref<!tpu.dma_semaphore, #tpu.memory_space<semaphore_mem>>
      tpu.enqueue_dma source(%arg3 : memref<64064xf32, #tpu.memory_space<hbm>>) target(%arg6 : memref<64064xf32, #tpu.memory_space<vmem>>) target_semaphore(%run_scoped3A : memref<!tpu.dma_semaphore, #tpu.memory_space<semaphore_mem>>)
      tpu.wait_dma2 semaphore(%run_scoped3A : memref<!tpu.dma_semaphore, #tpu.memory_space<semaphore_mem>>) src(%arg3 : memref<64064xf32, #tpu.memory_space<hbm>>) dst(%arg6 : memref<64064xf32, #tpu.memory_space<vmem>>)
      tpu.yield
    }) : () -> ()
    "tpu.region"() ({
      %run_scoped3A = tpu.sem_alloc : memref<!tpu.dma_semaphore, #tpu.memory_space<semaphore_mem>>
      %dma_start3A_125 = arith.constant 0 : i32
      %dma_start3A_126 = tpu.memref_slice %arg5[%dma_start3A_125] : memref<13328xi32, #tpu.memory_space<vmem>> -> memref<13312xi32, #tpu.memory_space<vmem>>
      %dma_start3A_127 = tpu.memref_slice %arg2[%mul3A_2] : memref<425984xi32, #tpu.memory_space<hbm>> -> memref<13312xi32, #tpu.memory_space<hbm>>
      %dma_start3A_128 = arith.constant 0 : i32
      %dma_start3A_129 = tpu.memref_slice %arg5[%dma_start3A_128] : memref<13328xi32, #tpu.memory_space<vmem>> -> memref<13312xi32, #tpu.memory_space<vmem>>
      %dma_start3A_130 = tpu.memref_slice %arg2[%mul3A_2] : memref<425984xi32, #tpu.memory_space<hbm>> -> memref<13312xi32, #tpu.memory_space<hbm>>
      tpu.enqueue_dma source(%dma_start3A_130 : memref<13312xi32, #tpu.memory_space<hbm>>) target(%dma_start3A_129 : memref<13312xi32, #tpu.memory_space<vmem>>) target_semaphore(%run_scoped3A : memref<!tpu.dma_semaphore, #tpu.memory_space<semaphore_mem>>)
      %dma_wait3A_131 = arith.constant 0 : i32
      %dma_wait3A_132 = tpu.memref_slice %arg5[%dma_wait3A_131] : memref<13328xi32, #tpu.memory_space<vmem>> -> memref<13312xi32, #tpu.memory_space<vmem>>
      %dma_wait3A_133 = tpu.memref_slice %arg2[%mul3A_2] : memref<425984xi32, #tpu.memory_space<hbm>> -> memref<13312xi32, #tpu.memory_space<hbm>>
      %dma_wait3A_134 = arith.constant 0 : i32
      %dma_wait3A_135 = tpu.memref_slice %arg5[%dma_wait3A_134] : memref<13328xi32, #tpu.memory_space<vmem>> -> memref<13312xi32, #tpu.memory_space<vmem>>
      %dma_wait3A_136 = tpu.memref_slice %arg2[%mul3A_2] : memref<425984xi32, #tpu.memory_space<hbm>> -> memref<13312xi32, #tpu.memory_space<hbm>>
      tpu.wait_dma2 semaphore(%run_scoped3A : memref<!tpu.dma_semaphore, #tpu.memory_space<semaphore_mem>>) src(%dma_wait3A_136 : memref<13312xi32, #tpu.memory_space<hbm>>) dst(%dma_wait3A_135 : memref<13312xi32, #tpu.memory_space<vmem>>)
      tpu.yield
    }) : () -> ()
    %iota3A = tpu.iota {dimensions = array<i32: 0>} : vector<16xi32>
    %mul3A_3 = arith.constant 1001 : i32
    %mul3A_4 = vector.broadcast %mul3A_3 : i32 to vector<16xi32>
    %mul3A_5 = arith.muli %iota3A, %mul3A_4 : vector<16xi32>
    %and3A = arith.constant 7 : i32
    %and3A_6 = vector.broadcast %and3A : i32 to vector<16xi32>
    %and3A_7 = arith.andi %iota3A, %and3A_6 : vector<16xi32>
    %shift_right_arithmetic3A = arith.constant 3 : i32
    %shift_right_arithmetic3A_8 = vector.broadcast %shift_right_arithmetic3A : i32 to vector<16xi32>
    %shift_right_arithmetic3A_9 = arith.shrsi %iota3A, %shift_right_arithmetic3A_8 : vector<16xi32>
    %add3A_10 = arith.constant 0 : i32
    %add3A_11 = vector.broadcast %add3A_10 : i32 to vector<16xi32>
    %add3A_12 = arith.addi %shift_right_arithmetic3A_9, %add3A_11 : vector<16xi32>
    %shift_right_arithmetic3A_13 = arith.constant 3 : i32
    %shift_right_arithmetic3A_14 = vector.broadcast %shift_right_arithmetic3A_13 : i32 to vector<16xi32>
    %shift_right_arithmetic3A_15 = arith.shrsi %iota3A, %shift_right_arithmetic3A_14 : vector<16xi32>
    %add3A_16 = arith.constant 2 : i32
    %add3A_17 = vector.broadcast %add3A_16 : i32 to vector<16xi32>
    %add3A_18 = arith.addi %shift_right_arithmetic3A_15, %add3A_17 : vector<16xi32>
    %shift_right_arithmetic3A_19 = arith.constant 3 : i32
    %shift_right_arithmetic3A_20 = vector.broadcast %shift_right_arithmetic3A_19 : i32 to vector<16xi32>
    %shift_right_arithmetic3A_21 = arith.shrsi %iota3A, %shift_right_arithmetic3A_20 : vector<16xi32>
    %add3A_22 = arith.constant 4 : i32
    %add3A_23 = vector.broadcast %add3A_22 : i32 to vector<16xi32>
    %add3A_24 = arith.addi %shift_right_arithmetic3A_21, %add3A_23 : vector<16xi32>
    %shift_right_arithmetic3A_25 = arith.constant 3 : i32
    %shift_right_arithmetic3A_26 = vector.broadcast %shift_right_arithmetic3A_25 : i32 to vector<16xi32>
    %shift_right_arithmetic3A_27 = arith.shrsi %iota3A, %shift_right_arithmetic3A_26 : vector<16xi32>
    %add3A_28 = arith.constant 6 : i32
    %add3A_29 = vector.broadcast %add3A_28 : i32 to vector<16xi32>
    %add3A_30 = arith.addi %shift_right_arithmetic3A_27, %add3A_29 : vector<16xi32>
    %mul3A_31 = arith.constant 4 : i32
    %mul3A_32 = arith.muli %add3A, %mul3A_31 : i32
    %add3A_33 = arith.constant 0 : i32
    %add3A_34 = arith.addi %mul3A_32, %add3A_33 : i32
    %parallel_loop3A = arith.constant 0 : i32
    %parallel_loop3A_35 = arith.constant 128 : i32
    %parallel_loop3A_36 = arith.constant 1 : i32
    scf.for %parallel_loop3A_125 = %parallel_loop3A to %parallel_loop3A_35 step %parallel_loop3A_36  : i32 {
      %parallel_loop3A_126 = arith.constant 26 : i32
      %parallel_loop3A_127 = arith.muli %parallel_loop3A_125, %parallel_loop3A_126 : i32
      %parallel_loop3A_128 = arith.constant 0 : i32
      %parallel_loop3A_129 = arith.addi %parallel_loop3A_128, %parallel_loop3A_127 : i32
      %parallel_loop3A_130 = arith.index_cast %parallel_loop3A_129 : i32 to index
      %parallel_loop3A_131 = tpu.vector_load %arg5[%parallel_loop3A_130] {strides = array<i32>} : memref<13328xi32, #tpu.memory_space<vmem>>, vector<16xi32>,
      %parallel_loop3A_132 = vector.extract_strided_slice %parallel_loop3A_131 {offsets = [0], sizes = [1], strides = [1]} : vector<16xi32> to vector<1xi32>
      %parallel_loop3A_133 = vector.extract %parallel_loop3A_132[0] : i32 from vector<1xi32>
      %parallel_loop3A_134 = vector.broadcast %parallel_loop3A_133 : i32 to vector<16xi32>
      %parallel_loop3A_135 = arith.constant 0 : i32
      %parallel_loop3A_136 = vector.broadcast %parallel_loop3A_135 : i32 to vector<16xi32>
      %parallel_loop3A_137 = vector.broadcast %parallel_loop3A_125 : i32 to vector<16xi32>
      %parallel_loop3A_138 = arith.addi %parallel_loop3A_136, %parallel_loop3A_137 : vector<16xi32>
      %parallel_loop3A_139 = arith.addi %mul3A_5, %parallel_loop3A_134 : vector<16xi32>
      %parallel_loop3A_140 = arith.constant 0 : i32
      %parallel_loop3A_141 = vector.broadcast %parallel_loop3A_140 : i32 to vector<16xi32>
      %parallel_loop3A_142 = arith.addi %parallel_loop3A_139, %parallel_loop3A_141 : vector<16xi32>
      %parallel_loop3A_143 = tpu.vector_load_idx %arg6[%parallel_loop3A_142] : memref<64064xf32, #tpu.memory_space<vmem>>[vector<16xi32>], vector<16xf32>,
      tpu.vector_store_idx %arg7[%add3A_12, %and3A_7, %parallel_loop3A_138], %parallel_loop3A_143 : memref<8x8x129xf32, #tpu.memory_space<vmem>>[vector<16xi32>, vector<16xi32>, vector<16xi32>], vector<16xf32>,
      %parallel_loop3A_144 = arith.addi %mul3A_5, %parallel_loop3A_134 : vector<16xi32>
      %parallel_loop3A_145 = arith.constant 16016 : i32
      %parallel_loop3A_146 = vector.broadcast %parallel_loop3A_145 : i32 to vector<16xi32>
      %parallel_loop3A_147 = arith.addi %parallel_loop3A_144, %parallel_loop3A_146 : vector<16xi32>
      %parallel_loop3A_148 = tpu.vector_load_idx %arg6[%parallel_loop3A_147] : memref<64064xf32, #tpu.memory_space<vmem>>[vector<16xi32>], vector<16xf32>,
      tpu.vector_store_idx %arg7[%add3A_18, %and3A_7, %parallel_loop3A_138], %parallel_loop3A_148 : memref<8x8x129xf32, #tpu.memory_space<vmem>>[vector<16xi32>, vector<16xi32>, vector<16xi32>], vector<16xf32>,
      %parallel_loop3A_149 = arith.addi %mul3A_5, %parallel_loop3A_134 : vector<16xi32>
      %parallel_loop3A_150 = arith.constant 32032 : i32
      %parallel_loop3A_151 = vector.broadcast %parallel_loop3A_150 : i32 to vector<16xi32>
      %parallel_loop3A_152 = arith.addi %parallel_loop3A_149, %parallel_loop3A_151 : vector<16xi32>
      %parallel_loop3A_153 = tpu.vector_load_idx %arg6[%parallel_loop3A_152] : memref<64064xf32, #tpu.memory_space<vmem>>[vector<16xi32>], vector<16xf32>,
      tpu.vector_store_idx %arg7[%add3A_24, %and3A_7, %parallel_loop3A_138], %parallel_loop3A_153 : memref<8x8x129xf32, #tpu.memory_space<vmem>>[vector<16xi32>, vector<16xi32>, vector<16xi32>], vector<16xf32>,
      %parallel_loop3A_154 = arith.addi %mul3A_5, %parallel_loop3A_134 : vector<16xi32>
      %parallel_loop3A_155 = arith.constant 48048 : i32
      %parallel_loop3A_156 = vector.broadcast %parallel_loop3A_155 : i32 to vector<16xi32>
      %parallel_loop3A_157 = arith.addi %parallel_loop3A_154, %parallel_loop3A_156 : vector<16xi32>
      %parallel_loop3A_158 = tpu.vector_load_idx %arg6[%parallel_loop3A_157] : memref<64064xf32, #tpu.memory_space<vmem>>[vector<16xi32>], vector<16xf32>,
      tpu.vector_store_idx %arg7[%add3A_30, %and3A_7, %parallel_loop3A_138], %parallel_loop3A_158 : memref<8x8x129xf32, #tpu.memory_space<vmem>>[vector<16xi32>, vector<16xi32>, vector<16xi32>], vector<16xf32>,
    } {sc.loop_unroll_factor = 1 : i64, sc.parallel_access}
    %dma_start3A = arith.constant 0 : i32
    %dma_start3A_37 = arith.constant 0 : i32
    %dma_start3A_38 = arith.constant 0 : i32
    %dma_start3A_39 = arith.constant 0 : i32
    %dma_start3A_40 = tpu.memref_slice %arg7[%dma_start3A_37, %dma_start3A_38, %dma_start3A_39] : memref<8x8x129xf32, #tpu.memory_space<vmem>> -> memref<8x8x128xf32, #tpu.memory_space<vmem>>
    %dma_start3A_41 = arith.constant 0 : i32
    %dma_start3A_42 = arith.constant 0 : i32
    %dma_start3A_43 = arith.constant 0 : i32
    %dma_start3A_44 = tpu.memref_slice %arg4[%dma_start3A, %dma_start3A_41, %add3A_34, %dma_start3A_42, %dma_start3A_43] : memref<26x8x128x8x128xf32, #tpu.memory_space<hbm>> -> memref<1x8x1x8x128xf32, #tpu.memory_space<hbm>>
    %dma_start3A_45 = tpu.memref_squeeze %dma_start3A_44 : memref<1x8x1x8x128xf32, #tpu.memory_space<hbm>> -> memref<8x8x128xf32, #tpu.memory_space<hbm>>
    %dma_start3A_46 = arith.constant 0 : i32
    %dma_start3A_47 = arith.constant 0 : i32
    %dma_start3A_48 = arith.constant 0 : i32
    %dma_start3A_49 = tpu.memref_slice %arg4[%dma_start3A, %dma_start3A_46, %add3A_34, %dma_start3A_47, %dma_start3A_48] : memref<26x8x128x8x128xf32, #tpu.memory_space<hbm>> -> memref<1x8x1x8x128xf32, #tpu.memory_space<hbm>>
    %dma_start3A_50 = tpu.memref_squeeze %dma_start3A_49 : memref<1x8x1x8x128xf32, #tpu.memory_space<hbm>> -> memref<8x8x128xf32, #tpu.memory_space<hbm>>
    %dma_start3A_51 = arith.constant 0 : i32
    %dma_start3A_52 = arith.constant 0 : i32
    %dma_start3A_53 = arith.constant 0 : i32
    %dma_start3A_54 = tpu.memref_slice %arg7[%dma_start3A_51, %dma_start3A_52, %dma_start3A_53] : memref<8x8x129xf32, #tpu.memory_space<vmem>> -> memref<8x8x128xf32, #tpu.memory_space<vmem>>
    tpu.enqueue_dma source(%dma_start3A_54 : memref<8x8x128xf32, #tpu.memory_space<vmem>>) target(%dma_start3A_50 : memref<8x8x128xf32, #tpu.memory_space<hbm>>) target_semaphore(%arg9 : memref<!tpu.dma_semaphore, #tpu.memory_space<semaphore_mem>>)
    %mul3A_55 = arith.constant 4 : i32
    %mul3A_56 = arith.muli %add3A, %mul3A_55 : i32
    %add3A_57 = arith.constant 0 : i32
    %add3A_58 = arith.addi %mul3A_56, %add3A_57 : i32
    %parallel_loop3A_59 = arith.constant 0 : i32
    %parallel_loop3A_60 = arith.constant 128 : i32
    %parallel_loop3A_61 = arith.constant 1 : i32
    scf.for %parallel_loop3A_125 = %parallel_loop3A_59 to %parallel_loop3A_60 step %parallel_loop3A_61  : i32 {
      %parallel_loop3A_126 = arith.constant 26 : i32
      %parallel_loop3A_127 = arith.muli %parallel_loop3A_125, %parallel_loop3A_126 : i32
      %parallel_loop3A_128 = arith.constant 1 : i32
      %parallel_loop3A_129 = arith.addi %parallel_loop3A_128, %parallel_loop3A_127 : i32
      %parallel_loop3A_130 = arith.index_cast %parallel_loop3A_129 : i32 to index
      %parallel_loop3A_131 = tpu.vector_load %arg5[%parallel_loop3A_130] {strides = array<i32>} : memref<13328xi32, #tpu.memory_space<vmem>>, vector<16xi32>,
      %parallel_loop3A_132 = vector.extract_strided_slice %parallel_loop3A_131 {offsets = [0], sizes = [1], strides = [1]} : vector<16xi32> to vector<1xi32>
      %parallel_loop3A_133 = vector.extract %parallel_loop3A_132[0] : i32 from vector<1xi32>
      %parallel_loop3A_134 = vector.broadcast %parallel_loop3A_133 : i32 to vector<16xi32>
      %parallel_loop3A_135 = arith.constant 0 : i32
      %parallel_loop3A_136 = vector.broadcast %parallel_loop3A_135 : i32 to vector<16xi32>
      %parallel_loop3A_137 = vector.broadcast %parallel_loop3A_125 : i32 to vector<16xi32>
      %parallel_loop3A_138 = arith.addi %parallel_loop3A_136, %parallel_loop3A_137 : vector<16xi32>
      %parallel_loop3A_139 = arith.addi %mul3A_5, %parallel_loop3A_134 : vector<16xi32>
      %parallel_loop3A_140 = arith.constant 0 : i32
      %parallel_loop3A_141 = vector.broadcast %parallel_loop3A_140 : i32 to vector<16xi32>
      %parallel_loop3A_142 = arith.addi %parallel_loop3A_139, %parallel_loop3A_141 : vector<16xi32>
      %parallel_loop3A_143 = tpu.vector_load_idx %arg6[%parallel_loop3A_142] : memref<64064xf32, #tpu.memory_space<vmem>>[vector<16xi32>], vector<16xf32>,
      tpu.vector_store_idx %arg8[%add3A_12, %and3A_7, %parallel_loop3A_138], %parallel_loop3A_143 : memref<8x8x129xf32, #tpu.memory_space<vmem>>[vector<16xi32>, vector<16xi32>, vector<16xi32>], vector<16xf32>,
      %parallel_loop3A_144 = arith.addi %mul3A_5, %parallel_loop3A_134 : vector<16xi32>
      %parallel_loop3A_145 = arith.constant 16016 : i32
      %parallel_loop3A_146 = vector.broadcast %parallel_loop3A_145 : i32 to vector<16xi32>
      %parallel_loop3A_147 = arith.addi %parallel_loop3A_144, %parallel_loop3A_146 : vector<16xi32>
      %parallel_loop3A_148 = tpu.vector_load_idx %arg6[%parallel_loop3A_147] : memref<64064xf32, #tpu.memory_space<vmem>>[vector<16xi32>], vector<16xf32>,
      tpu.vector_store_idx %arg8[%add3A_18, %and3A_7, %parallel_loop3A_138], %parallel_loop3A_148 : memref<8x8x129xf32, #tpu.memory_space<vmem>>[vector<16xi32>, vector<16xi32>, vector<16xi32>], vector<16xf32>,
      %parallel_loop3A_149 = arith.addi %mul3A_5, %parallel_loop3A_134 : vector<16xi32>
      %parallel_loop3A_150 = arith.constant 32032 : i32
      %parallel_loop3A_151 = vector.broadcast %parallel_loop3A_150 : i32 to vector<16xi32>
      %parallel_loop3A_152 = arith.addi %parallel_loop3A_149, %parallel_loop3A_151 : vector<16xi32>
      %parallel_loop3A_153 = tpu.vector_load_idx %arg6[%parallel_loop3A_152] : memref<64064xf32, #tpu.memory_space<vmem>>[vector<16xi32>], vector<16xf32>,
      tpu.vector_store_idx %arg8[%add3A_24, %and3A_7, %parallel_loop3A_138], %parallel_loop3A_153 : memref<8x8x129xf32, #tpu.memory_space<vmem>>[vector<16xi32>, vector<16xi32>, vector<16xi32>], vector<16xf32>,
      %parallel_loop3A_154 = arith.addi %mul3A_5, %parallel_loop3A_134 : vector<16xi32>
      %parallel_loop3A_155 = arith.constant 48048 : i32
      %parallel_loop3A_156 = vector.broadcast %parallel_loop3A_155 : i32 to vector<16xi32>
      %parallel_loop3A_157 = arith.addi %parallel_loop3A_154, %parallel_loop3A_156 : vector<16xi32>
      %parallel_loop3A_158 = tpu.vector_load_idx %arg6[%parallel_loop3A_157] : memref<64064xf32, #tpu.memory_space<vmem>>[vector<16xi32>], vector<16xf32>,
      tpu.vector_store_idx %arg8[%add3A_30, %and3A_7, %parallel_loop3A_138], %parallel_loop3A_158 : memref<8x8x129xf32, #tpu.memory_space<vmem>>[vector<16xi32>, vector<16xi32>, vector<16xi32>], vector<16xf32>,
    } {sc.loop_unroll_factor = 1 : i64, sc.parallel_access}
    %dma_start3A_62 = arith.constant 1 : i32
    %dma_start3A_63 = arith.constant 0 : i32
    %dma_start3A_64 = arith.constant 0 : i32
    %dma_start3A_65 = arith.constant 0 : i32
    %dma_start3A_66 = tpu.memref_slice %arg8[%dma_start3A_63, %dma_start3A_64, %dma_start3A_65] : memref<8x8x129xf32, #tpu.memory_space<vmem>> -> memref<8x8x128xf32, #tpu.memory_space<vmem>>
    %dma_start3A_67 = arith.constant 0 : i32
    %dma_start3A_68 = arith.constant 0 : i32
    %dma_start3A_69 = arith.constant 0 : i32
    %dma_start3A_70 = tpu.memref_slice %arg4[%dma_start3A_62, %dma_start3A_67, %add3A_58, %dma_start3A_68, %dma_start3A_69] : memref<26x8x128x8x128xf32, #tpu.memory_space<hbm>> -> memref<1x8x1x8x128xf32, #tpu.memory_space<hbm>>
    %dma_start3A_71 = tpu.memref_squeeze %dma_start3A_70 : memref<1x8x1x8x128xf32, #tpu.memory_space<hbm>> -> memref<8x8x128xf32, #tpu.memory_space<hbm>>
    %dma_start3A_72 = arith.constant 0 : i32
    %dma_start3A_73 = arith.constant 0 : i32
    %dma_start3A_74 = arith.constant 0 : i32
    %dma_start3A_75 = tpu.memref_slice %arg4[%dma_start3A_62, %dma_start3A_72, %add3A_58, %dma_start3A_73, %dma_start3A_74] : memref<26x8x128x8x128xf32, #tpu.memory_space<hbm>> -> memref<1x8x1x8x128xf32, #tpu.memory_space<hbm>>
    %dma_start3A_76 = tpu.memref_squeeze %dma_start3A_75 : memref<1x8x1x8x128xf32, #tpu.memory_space<hbm>> -> memref<8x8x128xf32, #tpu.memory_space<hbm>>
    %dma_start3A_77 = arith.constant 0 : i32
    %dma_start3A_78 = arith.constant 0 : i32
    %dma_start3A_79 = arith.constant 0 : i32
    %dma_start3A_80 = tpu.memref_slice %arg8[%dma_start3A_77, %dma_start3A_78, %dma_start3A_79] : memref<8x8x129xf32, #tpu.memory_space<vmem>> -> memref<8x8x128xf32, #tpu.memory_space<vmem>>
    tpu.enqueue_dma source(%dma_start3A_80 : memref<8x8x128xf32, #tpu.memory_space<vmem>>) target(%dma_start3A_76 : memref<8x8x128xf32, #tpu.memory_space<hbm>>) target_semaphore(%arg10 : memref<!tpu.dma_semaphore, #tpu.memory_space<semaphore_mem>>)
    %scan3A = arith.constant 0 : i32
    %scan3A_81 = arith.constant 1 : i32
    %scan3A_82 = arith.constant 51 : i32
    %scan3A_83 = arith.addi %scan3A_81, %scan3A_82 : i32
    %scan3A_84 = arith.constant 1 : i32
    scf.for %scan3A_125 = %scan3A_81 to %scan3A_83 step %scan3A_84  : i32 {
      %dma_wait3A_126 = arith.constant 0 : i32
      %dma_wait3A_127 = arith.constant 0 : i32
      %dma_wait3A_128 = arith.constant 0 : i32
      %dma_wait3A_129 = arith.constant 0 : i32
      %dma_wait3A_130 = arith.constant 0 : i32
      %dma_wait3A_131 = tpu.memref_slice %arg7[%dma_wait3A_128, %dma_wait3A_129, %dma_wait3A_130] : memref<8x8x129xf32, #tpu.memory_space<vmem>> -> memref<8x8x128xf32, #tpu.memory_space<vmem>>
      %dma_wait3A_132 = arith.constant 0 : i32
      %dma_wait3A_133 = arith.constant 0 : i32
      %dma_wait3A_134 = arith.constant 0 : i32
      %dma_wait3A_135 = tpu.memref_slice %arg4[%dma_wait3A_126, %dma_wait3A_132, %dma_wait3A_127, %dma_wait3A_133, %dma_wait3A_134] : memref<26x8x128x8x128xf32, #tpu.memory_space<hbm>> -> memref<1x8x1x8x128xf32, #tpu.memory_space<hbm>>
      %dma_wait3A_136 = tpu.memref_squeeze %dma_wait3A_135 : memref<1x8x1x8x128xf32, #tpu.memory_space<hbm>> -> memref<8x8x128xf32, #tpu.memory_space<hbm>>
      %dma_wait3A_137 = arith.constant 0 : i32
      %dma_wait3A_138 = arith.constant 0 : i32
      %dma_wait3A_139 = arith.constant 0 : i32
      %dma_wait3A_140 = tpu.memref_slice %arg4[%dma_wait3A_126, %dma_wait3A_137, %dma_wait3A_127, %dma_wait3A_138, %dma_wait3A_139] : memref<26x8x128x8x128xf32, #tpu.memory_space<hbm>> -> memref<1x8x1x8x128xf32, #tpu.memory_space<hbm>>
      %dma_wait3A_141 = tpu.memref_squeeze %dma_wait3A_140 : memref<1x8x1x8x128xf32, #tpu.memory_space<hbm>> -> memref<8x8x128xf32, #tpu.memory_space<hbm>>
      %dma_wait3A_142 = arith.constant 0 : i32
      %dma_wait3A_143 = arith.constant 0 : i32
      %dma_wait3A_144 = arith.constant 0 : i32
      %dma_wait3A_145 = tpu.memref_slice %arg7[%dma_wait3A_142, %dma_wait3A_143, %dma_wait3A_144] : memref<8x8x129xf32, #tpu.memory_space<vmem>> -> memref<8x8x128xf32, #tpu.memory_space<vmem>>
      tpu.wait_dma2 semaphore(%arg9 : memref<!tpu.dma_semaphore, #tpu.memory_space<semaphore_mem>>) src(%dma_wait3A_145 : memref<8x8x128xf32, #tpu.memory_space<vmem>>) dst(%dma_wait3A_141 : memref<8x8x128xf32, #tpu.memory_space<hbm>>)
      %mul3A_146 = arith.constant 2 : i32
      %mul3A_147 = arith.muli %mul3A_146, %scan3A_125 : i32
      %add3A_148 = arith.constant 0 : i32
      %add3A_149 = arith.addi %mul3A_147, %add3A_148 : i32
      %jit3A = arith.constant 26 : i32
      %div3A = arith.divsi %add3A_149, %jit3A : i32
      %sign3A = arith.constant 0 : i32
      %sign3A_150 = arith.cmpi sgt, %add3A_149, %sign3A : i32
      %sign3A_151 = arith.extui %sign3A_150 : i1 to i32
      %sign3A_152 = arith.constant 0 : i32
      %sign3A_153 = arith.cmpi slt, %add3A_149, %sign3A_152 : i32
      %sign3A_154 = arith.extui %sign3A_153 : i1 to i32
      %sign3A_155 = arith.subi %sign3A_151, %sign3A_154 : i32
      %sign3A_156 = arith.constant 0 : i32
      %sign3A_157 = arith.cmpi sgt, %jit3A, %sign3A_156 : i32
      %sign3A_158 = arith.extui %sign3A_157 : i1 to i32
      %sign3A_159 = arith.constant 0 : i32
      %sign3A_160 = arith.cmpi slt, %jit3A, %sign3A_159 : i32
      %sign3A_161 = arith.extui %sign3A_160 : i1 to i32
      %sign3A_162 = arith.subi %sign3A_158, %sign3A_161 : i32
      %ne3A = arith.cmpi ne, %sign3A_155, %sign3A_162 : i32
      %rem3A = arith.remsi %add3A_149, %jit3A : i32
      %ne3A_163 = arith.constant 0 : i32
      %ne3A_164 = arith.cmpi ne, %rem3A, %ne3A_163 : i32
      %and3A_165 = arith.andi %ne3A, %ne3A_164 : i1
      %sub3A = arith.constant 1 : i32
      %sub3A_166 = arith.subi %div3A, %sub3A : i32
      %select_n3A = arith.select %and3A_165, %sub3A_166, %div3A : i32
      %jit3A_167 = arith.constant 26 : i32
      %eq3A = arith.constant 0 : i32
      %eq3A_168 = arith.cmpi eq, %jit3A_167, %eq3A : i32
      %jit3A_169 = arith.constant 1 : i32
      %select_n3A_170 = arith.select %eq3A_168, %jit3A_169, %jit3A_167 : i32
      %rem3A_171 = arith.remsi %add3A_149, %select_n3A_170 : i32
      %ne3A_172 = arith.constant 0 : i32
      %ne3A_173 = arith.cmpi ne, %rem3A_171, %ne3A_172 : i32
      %lt3A = arith.constant 0 : i32
      %lt3A_174 = arith.cmpi slt, %rem3A_171, %lt3A : i32
      %lt3A_175 = arith.constant 0 : i32
      %lt3A_176 = arith.cmpi slt, %select_n3A_170, %lt3A_175 : i32
      %ne3A_177 = arith.xori %lt3A_174, %lt3A_176 : i1
      %and3A_178 = arith.andi %ne3A_177, %ne3A_173 : i1
      %add3A_179 = arith.addi %rem3A_171, %select_n3A_170 : i32
      %select_n3A_180 = arith.select %and3A_178, %add3A_179, %rem3A_171 : i32
      %mul3A_181 = arith.constant 4 : i32
      %mul3A_182 = arith.muli %add3A, %mul3A_181 : i32
      %add3A_183 = arith.addi %mul3A_182, %select_n3A : i32
      %mul3A_184 = arith.constant 128 : i32
      %mul3A_185 = arith.muli %select_n3A, %mul3A_184 : i32
      %mul3A_186 = arith.constant 26 : i32
      %mul3A_187 = arith.muli %mul3A_185, %mul3A_186 : i32
      %add3A_188 = arith.addi %mul3A_187, %select_n3A_180 : i32
      %parallel_loop3A_189 = arith.constant 0 : i32
      %parallel_loop3A_190 = arith.constant 128 : i32
      %parallel_loop3A_191 = arith.constant 1 : i32
      scf.for %parallel_loop3A_303 = %parallel_loop3A_189 to %parallel_loop3A_190 step %parallel_loop3A_191  : i32 {
        %parallel_loop3A_304 = arith.constant 26 : i32
        %parallel_loop3A_305 = arith.muli %parallel_loop3A_303, %parallel_loop3A_304 : i32
        %parallel_loop3A_306 = arith.addi %add3A_188, %parallel_loop3A_305 : i32
        %parallel_loop3A_307 = arith.index_cast %parallel_loop3A_306 : i32 to index
        %parallel_loop3A_308 = tpu.vector_load %arg5[%parallel_loop3A_307] {strides = array<i32>} : memref<13328xi32, #tpu.memory_space<vmem>>, vector<16xi32>,
        %parallel_loop3A_309 = vector.extract_strided_slice %parallel_loop3A_308 {offsets = [0], sizes = [1], strides = [1]} : vector<16xi32> to vector<1xi32>
        %parallel_loop3A_310 = vector.extract %parallel_loop3A_309[0] : i32 from vector<1xi32>
        %parallel_loop3A_311 = vector.broadcast %parallel_loop3A_310 : i32 to vector<16xi32>
        %parallel_loop3A_312 = arith.constant 0 : i32
        %parallel_loop3A_313 = vector.broadcast %parallel_loop3A_312 : i32 to vector<16xi32>
        %parallel_loop3A_314 = vector.broadcast %parallel_loop3A_303 : i32 to vector<16xi32>
        %parallel_loop3A_315 = arith.addi %parallel_loop3A_313, %parallel_loop3A_314 : vector<16xi32>
        %parallel_loop3A_316 = arith.addi %mul3A_5, %parallel_loop3A_311 : vector<16xi32>
        %parallel_loop3A_317 = arith.constant 0 : i32
        %parallel_loop3A_318 = vector.broadcast %parallel_loop3A_317 : i32 to vector<16xi32>
        %parallel_loop3A_319 = arith.addi %parallel_loop3A_316, %parallel_loop3A_318 : vector<16xi32>
        %parallel_loop3A_320 = tpu.vector_load_idx %arg6[%parallel_loop3A_319] : memref<64064xf32, #tpu.memory_space<vmem>>[vector<16xi32>], vector<16xf32>,
        tpu.vector_store_idx %arg7[%add3A_12, %and3A_7, %parallel_loop3A_315], %parallel_loop3A_320 : memref<8x8x129xf32, #tpu.memory_space<vmem>>[vector<16xi32>, vector<16xi32>, vector<16xi32>], vector<16xf32>,
        %parallel_loop3A_321 = arith.addi %mul3A_5, %parallel_loop3A_311 : vector<16xi32>
        %parallel_loop3A_322 = arith.constant 16016 : i32
        %parallel_loop3A_323 = vector.broadcast %parallel_loop3A_322 : i32 to vector<16xi32>
        %parallel_loop3A_324 = arith.addi %parallel_loop3A_321, %parallel_loop3A_323 : vector<16xi32>
        %parallel_loop3A_325 = tpu.vector_load_idx %arg6[%parallel_loop3A_324] : memref<64064xf32, #tpu.memory_space<vmem>>[vector<16xi32>], vector<16xf32>,
        tpu.vector_store_idx %arg7[%add3A_18, %and3A_7, %parallel_loop3A_315], %parallel_loop3A_325 : memref<8x8x129xf32, #tpu.memory_space<vmem>>[vector<16xi32>, vector<16xi32>, vector<16xi32>], vector<16xf32>,
        %parallel_loop3A_326 = arith.addi %mul3A_5, %parallel_loop3A_311 : vector<16xi32>
        %parallel_loop3A_327 = arith.constant 32032 : i32
        %parallel_loop3A_328 = vector.broadcast %parallel_loop3A_327 : i32 to vector<16xi32>
        %parallel_loop3A_329 = arith.addi %parallel_loop3A_326, %parallel_loop3A_328 : vector<16xi32>
        %parallel_loop3A_330 = tpu.vector_load_idx %arg6[%parallel_loop3A_329] : memref<64064xf32, #tpu.memory_space<vmem>>[vector<16xi32>], vector<16xf32>,
        tpu.vector_store_idx %arg7[%add3A_24, %and3A_7, %parallel_loop3A_315], %parallel_loop3A_330 : memref<8x8x129xf32, #tpu.memory_space<vmem>>[vector<16xi32>, vector<16xi32>, vector<16xi32>], vector<16xf32>,
        %parallel_loop3A_331 = arith.addi %mul3A_5, %parallel_loop3A_311 : vector<16xi32>
        %parallel_loop3A_332 = arith.constant 48048 : i32
        %parallel_loop3A_333 = vector.broadcast %parallel_loop3A_332 : i32 to vector<16xi32>
        %parallel_loop3A_334 = arith.addi %parallel_loop3A_331, %parallel_loop3A_333 : vector<16xi32>
        %parallel_loop3A_335 = tpu.vector_load_idx %arg6[%parallel_loop3A_334] : memref<64064xf32, #tpu.memory_space<vmem>>[vector<16xi32>], vector<16xf32>,
        tpu.vector_store_idx %arg7[%add3A_30, %and3A_7, %parallel_loop3A_315], %parallel_loop3A_335 : memref<8x8x129xf32, #tpu.memory_space<vmem>>[vector<16xi32>, vector<16xi32>, vector<16xi32>], vector<16xf32>,
      } {sc.loop_unroll_factor = 1 : i64, sc.parallel_access}
      %dma_start3A_192 = arith.constant 0 : i32
      %dma_start3A_193 = arith.constant 0 : i32
      %dma_start3A_194 = arith.constant 0 : i32
      %dma_start3A_195 = tpu.memref_slice %arg7[%dma_start3A_192, %dma_start3A_193, %dma_start3A_194] : memref<8x8x129xf32, #tpu.memory_space<vmem>> -> memref<8x8x128xf32, #tpu.memory_space<vmem>>
      %dma_start3A_196 = arith.constant 0 : i32
      %dma_start3A_197 = arith.constant 0 : i32
      %dma_start3A_198 = arith.constant 0 : i32
      %dma_start3A_199 = tpu.memref_slice %arg4[%select_n3A_180, %dma_start3A_196, %add3A_183, %dma_start3A_197, %dma_start3A_198] : memref<26x8x128x8x128xf32, #tpu.memory_space<hbm>> -> memref<1x8x1x8x128xf32, #tpu.memory_space<hbm>>
      %dma_start3A_200 = tpu.memref_squeeze %dma_start3A_199 : memref<1x8x1x8x128xf32, #tpu.memory_space<hbm>> -> memref<8x8x128xf32, #tpu.memory_space<hbm>>
      %dma_start3A_201 = arith.constant 0 : i32
      %dma_start3A_202 = arith.constant 0 : i32
      %dma_start3A_203 = arith.constant 0 : i32
      %dma_start3A_204 = tpu.memref_slice %arg4[%select_n3A_180, %dma_start3A_201, %add3A_183, %dma_start3A_202, %dma_start3A_203] : memref<26x8x128x8x128xf32, #tpu.memory_space<hbm>> -> memref<1x8x1x8x128xf32, #tpu.memory_space<hbm>>
      %dma_start3A_205 = tpu.memref_squeeze %dma_start3A_204 : memref<1x8x1x8x128xf32, #tpu.memory_space<hbm>> -> memref<8x8x128xf32, #tpu.memory_space<hbm>>
      %dma_start3A_206 = arith.constant 0 : i32
      %dma_start3A_207 = arith.constant 0 : i32
      %dma_start3A_208 = arith.constant 0 : i32
      %dma_start3A_209 = tpu.memref_slice %arg7[%dma_start3A_206, %dma_start3A_207, %dma_start3A_208] : memref<8x8x129xf32, #tpu.memory_space<vmem>> -> memref<8x8x128xf32, #tpu.memory_space<vmem>>
      tpu.enqueue_dma source(%dma_start3A_209 : memref<8x8x128xf32, #tpu.memory_space<vmem>>) target(%dma_start3A_205 : memref<8x8x128xf32, #tpu.memory_space<hbm>>) target_semaphore(%arg9 : memref<!tpu.dma_semaphore, #tpu.memory_space<semaphore_mem>>)
      %dma_wait3A_210 = arith.constant 0 : i32
      %dma_wait3A_211 = arith.constant 0 : i32
      %dma_wait3A_212 = arith.constant 0 : i32
      %dma_wait3A_213 = arith.constant 0 : i32
      %dma_wait3A_214 = arith.constant 0 : i32
      %dma_wait3A_215 = tpu.memref_slice %arg8[%dma_wait3A_212, %dma_wait3A_213, %dma_wait3A_214] : memref<8x8x129xf32, #tpu.memory_space<vmem>> -> memref<8x8x128xf32, #tpu.memory_space<vmem>>
      %dma_wait3A_216 = arith.constant 0 : i32
      %dma_wait3A_217 = arith.constant 0 : i32
      %dma_wait3A_218 = arith.constant 0 : i32
      %dma_wait3A_219 = tpu.memref_slice %arg4[%dma_wait3A_210, %dma_wait3A_216, %dma_wait3A_211, %dma_wait3A_217, %dma_wait3A_218] : memref<26x8x128x8x128xf32, #tpu.memory_space<hbm>> -> memref<1x8x1x8x128xf32, #tpu.memory_space<hbm>>
      %dma_wait3A_220 = tpu.memref_squeeze %dma_wait3A_219 : memref<1x8x1x8x128xf32, #tpu.memory_space<hbm>> -> memref<8x8x128xf32, #tpu.memory_space<hbm>>
      %dma_wait3A_221 = arith.constant 0 : i32
      %dma_wait3A_222 = arith.constant 0 : i32
      %dma_wait3A_223 = arith.constant 0 : i32
      %dma_wait3A_224 = tpu.memref_slice %arg4[%dma_wait3A_210, %dma_wait3A_221, %dma_wait3A_211, %dma_wait3A_222, %dma_wait3A_223] : memref<26x8x128x8x128xf32, #tpu.memory_space<hbm>> -> memref<1x8x1x8x128xf32, #tpu.memory_space<hbm>>
      %dma_wait3A_225 = tpu.memref_squeeze %dma_wait3A_224 : memref<1x8x1x8x128xf32, #tpu.memory_space<hbm>> -> memref<8x8x128xf32, #tpu.memory_space<hbm>>
      %dma_wait3A_226 = arith.constant 0 : i32
      %dma_wait3A_227 = arith.constant 0 : i32
      %dma_wait3A_228 = arith.constant 0 : i32
      %dma_wait3A_229 = tpu.memref_slice %arg8[%dma_wait3A_226, %dma_wait3A_227, %dma_wait3A_228] : memref<8x8x129xf32, #tpu.memory_space<vmem>> -> memref<8x8x128xf32, #tpu.memory_space<vmem>>
      tpu.wait_dma2 semaphore(%arg10 : memref<!tpu.dma_semaphore, #tpu.memory_space<semaphore_mem>>) src(%dma_wait3A_229 : memref<8x8x128xf32, #tpu.memory_space<vmem>>) dst(%dma_wait3A_225 : memref<8x8x128xf32, #tpu.memory_space<hbm>>)
      %mul3A_230 = arith.constant 2 : i32
      %mul3A_231 = arith.muli %mul3A_230, %scan3A_125 : i32
      %add3A_232 = arith.constant 1 : i32
      %add3A_233 = arith.addi %mul3A_231, %add3A_232 : i32
      %jit3A_234 = arith.constant 26 : i32
      %div3A_235 = arith.divsi %add3A_233, %jit3A_234 : i32
      %sign3A_236 = arith.constant 0 : i32
      %sign3A_237 = arith.cmpi sgt, %add3A_233, %sign3A_236 : i32
      %sign3A_238 = arith.extui %sign3A_237 : i1 to i32
      %sign3A_239 = arith.constant 0 : i32
      %sign3A_240 = arith.cmpi slt, %add3A_233, %sign3A_239 : i32
      %sign3A_241 = arith.extui %sign3A_240 : i1 to i32
      %sign3A_242 = arith.subi %sign3A_238, %sign3A_241 : i32
      %sign3A_243 = arith.constant 0 : i32
      %sign3A_244 = arith.cmpi sgt, %jit3A_234, %sign3A_243 : i32
      %sign3A_245 = arith.extui %sign3A_244 : i1 to i32
      %sign3A_246 = arith.constant 0 : i32
      %sign3A_247 = arith.cmpi slt, %jit3A_234, %sign3A_246 : i32
      %sign3A_248 = arith.extui %sign3A_247 : i1 to i32
      %sign3A_249 = arith.subi %sign3A_245, %sign3A_248 : i32
      %ne3A_250 = arith.cmpi ne, %sign3A_242, %sign3A_249 : i32
      %rem3A_251 = arith.remsi %add3A_233, %jit3A_234 : i32
      %ne3A_252 = arith.constant 0 : i32
      %ne3A_253 = arith.cmpi ne, %rem3A_251, %ne3A_252 : i32
      %and3A_254 = arith.andi %ne3A_250, %ne3A_253 : i1
      %sub3A_255 = arith.constant 1 : i32
      %sub3A_256 = arith.subi %div3A_235, %sub3A_255 : i32
      %select_n3A_257 = arith.select %and3A_254, %sub3A_256, %div3A_235 : i32
      %jit3A_258 = arith.constant 26 : i32
      %eq3A_259 = arith.constant 0 : i32
      %eq3A_260 = arith.cmpi eq, %jit3A_258, %eq3A_259 : i32
      %jit3A_261 = arith.constant 1 : i32
      %select_n3A_262 = arith.select %eq3A_260, %jit3A_261, %jit3A_258 : i32
      %rem3A_263 = arith.remsi %add3A_233, %select_n3A_262 : i32
      %ne3A_264 = arith.constant 0 : i32
      %ne3A_265 = arith.cmpi ne, %rem3A_263, %ne3A_264 : i32
      %lt3A_266 = arith.constant 0 : i32
      %lt3A_267 = arith.cmpi slt, %rem3A_263, %lt3A_266 : i32
      %lt3A_268 = arith.constant 0 : i32
      %lt3A_269 = arith.cmpi slt, %select_n3A_262, %lt3A_268 : i32
      %ne3A_270 = arith.xori %lt3A_267, %lt3A_269 : i1
      %and3A_271 = arith.andi %ne3A_270, %ne3A_265 : i1
      %add3A_272 = arith.addi %rem3A_263, %select_n3A_262 : i32
      %select_n3A_273 = arith.select %and3A_271, %add3A_272, %rem3A_263 : i32
      %mul3A_274 = arith.constant 4 : i32
      %mul3A_275 = arith.muli %add3A, %mul3A_274 : i32
      %add3A_276 = arith.addi %mul3A_275, %select_n3A_257 : i32
      %mul3A_277 = arith.constant 128 : i32
      %mul3A_278 = arith.muli %select_n3A_257, %mul3A_277 : i32
      %mul3A_279 = arith.constant 26 : i32
      %mul3A_280 = arith.muli %mul3A_278, %mul3A_279 : i32
      %add3A_281 = arith.addi %mul3A_280, %select_n3A_273 : i32
      %parallel_loop3A_282 = arith.constant 0 : i32
      %parallel_loop3A_283 = arith.constant 128 : i32
      %parallel_loop3A_284 = arith.constant 1 : i32
      scf.for %parallel_loop3A_303 = %parallel_loop3A_282 to %parallel_loop3A_283 step %parallel_loop3A_284  : i32 {
        %parallel_loop3A_304 = arith.constant 26 : i32
        %parallel_loop3A_305 = arith.muli %parallel_loop3A_303, %parallel_loop3A_304 : i32
        %parallel_loop3A_306 = arith.addi %add3A_281, %parallel_loop3A_305 : i32
        %parallel_loop3A_307 = arith.index_cast %parallel_loop3A_306 : i32 to index
        %parallel_loop3A_308 = tpu.vector_load %arg5[%parallel_loop3A_307] {strides = array<i32>} : memref<13328xi32, #tpu.memory_space<vmem>>, vector<16xi32>,
        %parallel_loop3A_309 = vector.extract_strided_slice %parallel_loop3A_308 {offsets = [0], sizes = [1], strides = [1]} : vector<16xi32> to vector<1xi32>
        %parallel_loop3A_310 = vector.extract %parallel_loop3A_309[0] : i32 from vector<1xi32>
        %parallel_loop3A_311 = vector.broadcast %parallel_loop3A_310 : i32 to vector<16xi32>
        %parallel_loop3A_312 = arith.constant 0 : i32
        %parallel_loop3A_313 = vector.broadcast %parallel_loop3A_312 : i32 to vector<16xi32>
        %parallel_loop3A_314 = vector.broadcast %parallel_loop3A_303 : i32 to vector<16xi32>
        %parallel_loop3A_315 = arith.addi %parallel_loop3A_313, %parallel_loop3A_314 : vector<16xi32>
        %parallel_loop3A_316 = arith.addi %mul3A_5, %parallel_loop3A_311 : vector<16xi32>
        %parallel_loop3A_317 = arith.constant 0 : i32
        %parallel_loop3A_318 = vector.broadcast %parallel_loop3A_317 : i32 to vector<16xi32>
        %parallel_loop3A_319 = arith.addi %parallel_loop3A_316, %parallel_loop3A_318 : vector<16xi32>
        %parallel_loop3A_320 = tpu.vector_load_idx %arg6[%parallel_loop3A_319] : memref<64064xf32, #tpu.memory_space<vmem>>[vector<16xi32>], vector<16xf32>,
        tpu.vector_store_idx %arg8[%add3A_12, %and3A_7, %parallel_loop3A_315], %parallel_loop3A_320 : memref<8x8x129xf32, #tpu.memory_space<vmem>>[vector<16xi32>, vector<16xi32>, vector<16xi32>], vector<16xf32>,
        %parallel_loop3A_321 = arith.addi %mul3A_5, %parallel_loop3A_311 : vector<16xi32>
        %parallel_loop3A_322 = arith.constant 16016 : i32
        %parallel_loop3A_323 = vector.broadcast %parallel_loop3A_322 : i32 to vector<16xi32>
        %parallel_loop3A_324 = arith.addi %parallel_loop3A_321, %parallel_loop3A_323 : vector<16xi32>
        %parallel_loop3A_325 = tpu.vector_load_idx %arg6[%parallel_loop3A_324] : memref<64064xf32, #tpu.memory_space<vmem>>[vector<16xi32>], vector<16xf32>,
        tpu.vector_store_idx %arg8[%add3A_18, %and3A_7, %parallel_loop3A_315], %parallel_loop3A_325 : memref<8x8x129xf32, #tpu.memory_space<vmem>>[vector<16xi32>, vector<16xi32>, vector<16xi32>], vector<16xf32>,
        %parallel_loop3A_326 = arith.addi %mul3A_5, %parallel_loop3A_311 : vector<16xi32>
        %parallel_loop3A_327 = arith.constant 32032 : i32
        %parallel_loop3A_328 = vector.broadcast %parallel_loop3A_327 : i32 to vector<16xi32>
        %parallel_loop3A_329 = arith.addi %parallel_loop3A_326, %parallel_loop3A_328 : vector<16xi32>
        %parallel_loop3A_330 = tpu.vector_load_idx %arg6[%parallel_loop3A_329] : memref<64064xf32, #tpu.memory_space<vmem>>[vector<16xi32>], vector<16xf32>,
        tpu.vector_store_idx %arg8[%add3A_24, %and3A_7, %parallel_loop3A_315], %parallel_loop3A_330 : memref<8x8x129xf32, #tpu.memory_space<vmem>>[vector<16xi32>, vector<16xi32>, vector<16xi32>], vector<16xf32>,
        %parallel_loop3A_331 = arith.addi %mul3A_5, %parallel_loop3A_311 : vector<16xi32>
        %parallel_loop3A_332 = arith.constant 48048 : i32
        %parallel_loop3A_333 = vector.broadcast %parallel_loop3A_332 : i32 to vector<16xi32>
        %parallel_loop3A_334 = arith.addi %parallel_loop3A_331, %parallel_loop3A_333 : vector<16xi32>
        %parallel_loop3A_335 = tpu.vector_load_idx %arg6[%parallel_loop3A_334] : memref<64064xf32, #tpu.memory_space<vmem>>[vector<16xi32>], vector<16xf32>,
        tpu.vector_store_idx %arg8[%add3A_30, %and3A_7, %parallel_loop3A_315], %parallel_loop3A_335 : memref<8x8x129xf32, #tpu.memory_space<vmem>>[vector<16xi32>, vector<16xi32>, vector<16xi32>], vector<16xf32>,
      } {sc.loop_unroll_factor = 1 : i64, sc.parallel_access}
      %dma_start3A_285 = arith.constant 0 : i32
      %dma_start3A_286 = arith.constant 0 : i32
      %dma_start3A_287 = arith.constant 0 : i32
      %dma_start3A_288 = tpu.memref_slice %arg8[%dma_start3A_285, %dma_start3A_286, %dma_start3A_287] : memref<8x8x129xf32, #tpu.memory_space<vmem>> -> memref<8x8x128xf32, #tpu.memory_space<vmem>>
      %dma_start3A_289 = arith.constant 0 : i32
      %dma_start3A_290 = arith.constant 0 : i32
      %dma_start3A_291 = arith.constant 0 : i32
      %dma_start3A_292 = tpu.memref_slice %arg4[%select_n3A_273, %dma_start3A_289, %add3A_276, %dma_start3A_290, %dma_start3A_291] : memref<26x8x128x8x128xf32, #tpu.memory_space<hbm>> -> memref<1x8x1x8x128xf32, #tpu.memory_space<hbm>>
      %dma_start3A_293 = tpu.memref_squeeze %dma_start3A_292 : memref<1x8x1x8x128xf32, #tpu.memory_space<hbm>> -> memref<8x8x128xf32, #tpu.memory_space<hbm>>
      %dma_start3A_294 = arith.constant 0 : i32
      %dma_start3A_295 = arith.constant 0 : i32
      %dma_start3A_296 = arith.constant 0 : i32
      %dma_start3A_297 = tpu.memref_slice %arg4[%select_n3A_273, %dma_start3A_294, %add3A_276, %dma_start3A_295, %dma_start3A_296] : memref<26x8x128x8x128xf32, #tpu.memory_space<hbm>> -> memref<1x8x1x8x128xf32, #tpu.memory_space<hbm>>
      %dma_start3A_298 = tpu.memref_squeeze %dma_start3A_297 : memref<1x8x1x8x128xf32, #tpu.memory_space<hbm>> -> memref<8x8x128xf32, #tpu.memory_space<hbm>>
      %dma_start3A_299 = arith.constant 0 : i32
      %dma_start3A_300 = arith.constant 0 : i32
      %dma_start3A_301 = arith.constant 0 : i32
      %dma_start3A_302 = tpu.memref_slice %arg8[%dma_start3A_299, %dma_start3A_300, %dma_start3A_301] : memref<8x8x129xf32, #tpu.memory_space<vmem>> -> memref<8x8x128xf32, #tpu.memory_space<vmem>>
      tpu.enqueue_dma source(%dma_start3A_302 : memref<8x8x128xf32, #tpu.memory_space<vmem>>) target(%dma_start3A_298 : memref<8x8x128xf32, #tpu.memory_space<hbm>>) target_semaphore(%arg10 : memref<!tpu.dma_semaphore, #tpu.memory_space<semaphore_mem>>)
    }
    %scan3A_85 = arith.constant 51 : i32
    %dma_wait3A = arith.constant 0 : i32
    %dma_wait3A_86 = arith.constant 0 : i32
    %dma_wait3A_87 = arith.constant 0 : i32
    %dma_wait3A_88 = arith.constant 0 : i32
    %dma_wait3A_89 = arith.constant 0 : i32
    %dma_wait3A_90 = tpu.memref_slice %arg7[%dma_wait3A_87, %dma_wait3A_88, %dma_wait3A_89] : memref<8x8x129xf32, #tpu.memory_space<vmem>> -> memref<8x8x128xf32, #tpu.memory_space<vmem>>
    %dma_wait3A_91 = arith.constant 0 : i32
    %dma_wait3A_92 = arith.constant 0 : i32
    %dma_wait3A_93 = arith.constant 0 : i32
    %dma_wait3A_94 = tpu.memref_slice %arg4[%dma_wait3A, %dma_wait3A_91, %dma_wait3A_86, %dma_wait3A_92, %dma_wait3A_93] : memref<26x8x128x8x128xf32, #tpu.memory_space<hbm>> -> memref<1x8x1x8x128xf32, #tpu.memory_space<hbm>>
    %dma_wait3A_95 = tpu.memref_squeeze %dma_wait3A_94 : memref<1x8x1x8x128xf32, #tpu.memory_space<hbm>> -> memref<8x8x128xf32, #tpu.memory_space<hbm>>
    %dma_wait3A_96 = arith.constant 0 : i32
    %dma_wait3A_97 = arith.constant 0 : i32
    %dma_wait3A_98 = arith.constant 0 : i32
    %dma_wait3A_99 = tpu.memref_slice %arg4[%dma_wait3A, %dma_wait3A_96, %dma_wait3A_86, %dma_wait3A_97, %dma_wait3A_98] : memref<26x8x128x8x128xf32, #tpu.memory_space<hbm>> -> memref<1x8x1x8x128xf32, #tpu.memory_space<hbm>>
    %dma_wait3A_100 = tpu.memref_squeeze %dma_wait3A_99 : memref<1x8x1x8x128xf32, #tpu.memory_space<hbm>> -> memref<8x8x128xf32, #tpu.memory_space<hbm>>
    %dma_wait3A_101 = arith.constant 0 : i32
    %dma_wait3A_102 = arith.constant 0 : i32
    %dma_wait3A_103 = arith.constant 0 : i32
    %dma_wait3A_104 = tpu.memref_slice %arg7[%dma_wait3A_101, %dma_wait3A_102, %dma_wait3A_103] : memref<8x8x129xf32, #tpu.memory_space<vmem>> -> memref<8x8x128xf32, #tpu.memory_space<vmem>>
    tpu.wait_dma2 semaphore(%arg9 : memref<!tpu.dma_semaphore, #tpu.memory_space<semaphore_mem>>) src(%dma_wait3A_104 : memref<8x8x128xf32, #tpu.memory_space<vmem>>) dst(%dma_wait3A_100 : memref<8x8x128xf32, #tpu.memory_space<hbm>>)
    %dma_wait3A_105 = arith.constant 0 : i32
    %dma_wait3A_106 = arith.constant 0 : i32
    %dma_wait3A_107 = arith.constant 0 : i32
    %dma_wait3A_108 = arith.constant 0 : i32
    %dma_wait3A_109 = arith.constant 0 : i32
    %dma_wait3A_110 = tpu.memref_slice %arg8[%dma_wait3A_107, %dma_wait3A_108, %dma_wait3A_109] : memref<8x8x129xf32, #tpu.memory_space<vmem>> -> memref<8x8x128xf32, #tpu.memory_space<vmem>>
    %dma_wait3A_111 = arith.constant 0 : i32
    %dma_wait3A_112 = arith.constant 0 : i32
    %dma_wait3A_113 = arith.constant 0 : i32
    %dma_wait3A_114 = tpu.memref_slice %arg4[%dma_wait3A_105, %dma_wait3A_111, %dma_wait3A_106, %dma_wait3A_112, %dma_wait3A_113] : memref<26x8x128x8x128xf32, #tpu.memory_space<hbm>> -> memref<1x8x1x8x128xf32, #tpu.memory_space<hbm>>
    %dma_wait3A_115 = tpu.memref_squeeze %dma_wait3A_114 : memref<1x8x1x8x128xf32, #tpu.memory_space<hbm>> -> memref<8x8x128xf32, #tpu.memory_space<hbm>>
    %dma_wait3A_116 = arith.constant 0 : i32
    %dma_wait3A_117 = arith.constant 0 : i32
    %dma_wait3A_118 = arith.constant 0 : i32
    %dma_wait3A_119 = tpu.memref_slice %arg4[%dma_wait3A_105, %dma_wait3A_116, %dma_wait3A_106, %dma_wait3A_117, %dma_wait3A_118] : memref<26x8x128x8x128xf32, #tpu.memory_space<hbm>> -> memref<1x8x1x8x128xf32, #tpu.memory_space<hbm>>
    %dma_wait3A_120 = tpu.memref_squeeze %dma_wait3A_119 : memref<1x8x1x8x128xf32, #tpu.memory_space<hbm>> -> memref<8x8x128xf32, #tpu.memory_space<hbm>>
    %dma_wait3A_121 = arith.constant 0 : i32
    %dma_wait3A_122 = arith.constant 0 : i32
    %dma_wait3A_123 = arith.constant 0 : i32
    %dma_wait3A_124 = tpu.memref_slice %arg8[%dma_wait3A_121, %dma_wait3A_122, %dma_wait3A_123] : memref<8x8x129xf32, #tpu.memory_space<vmem>> -> memref<8x8x128xf32, #tpu.memory_space<vmem>>
    tpu.wait_dma2 semaphore(%arg10 : memref<!tpu.dma_semaphore, #tpu.memory_space<semaphore_mem>>) src(%dma_wait3A_124 : memref<8x8x128xf32, #tpu.memory_space<vmem>>) dst(%dma_wait3A_120 : memref<8x8x128xf32, #tpu.memory_space<hbm>>)
    return
  }
}

</mosaic_0001>

<sc_bundles>
// kernel: _encode.3.cloned.1.call-start
scs
__scs_entry_jumppad:
0x0: {  	(pc) =	sbr.rel $0x88, $3  }
0x1: {  	(tag) =	ssettag $0x0;
	lr =	simm.s32 $0x1  }
0x2: {  	[smem:$0x3F9F] =	sst lr;
	_ =	strace $0xD0000000  }
0x3: {  	_ = 	snop  }
0x4: {  	_ = 	snop  }
0x5: {  	_ = 	snop  }
0x6: {  	_ = 	snop  }
0x7: {  	_ = 	snop  }
__scs_overlays_trampoline_lowered:
0x8: {  	[smem:$0x3FAE] =	sst s0  }
0x9: {  	[smem:$0x3FAF] =	sst s1  }
0xa: {  	[smem:$0x3FB0] =	sst s2  }
0xb: {  	[smem:$0x3FB1] =	sst s3  }
0xc: {  	[smem:$0x3FB2] =	sst s4  }
0xd: {  	[smem:$0x3FB3] =	sst s5  }
0xe: {  	[smem:$0x3FB4] =	sst s6  }
0xf: {  	[smem:$0x3FB5] =	sst s7  }
0x10: {  	[smem:$0x3FB6] =	sst s8  }
0x11: {  	[smem:$0x3FB7] =	sst s9;
	s0 =	simm.s32 @!p0 $0x0  }
0x12: {  	s1 =	sld [smem:$0x3F9D];
	s0 =	simm.s32 @p0 $0x1  }
0x13: {  	[smem:$0x3FB8] =	sst s0;
	s0 =	simm.s32 @!p1 $0x0  }
0x14: {  	s2 =	sld [smem:$0x3F9C];
	s0 =	simm.s32 @p1 $0x1  }
0x15: {  	[smem:$0x3FB9] =	sst s0;
	s0 =	simm.s32 @!p2 $0x0  }
0x16: {  	s3 =	sld [smem:$0x3FDB];
	s0 =	simm.s32 @p2 $0x1  }
0x17: {  	s4 =	simm.s32 $0x1BF5;
	[smem:$0x3FBB] =	sst s0  }
0x18: {  	s0 =	sld [smem:$0x3F9E];
	_ =	swait.ge [sflag:s4], $0x0  }
0x19: {  	s7 =	sld [smem:$0x3F9F]  }
0x1a: {  	s8 =	sadd.s32 $0xFFFFE003, lr  }
0x1b: {  	s9 =	sadd.s32 $0xFFFFFEF7, lr;
	s5 =	simm.s32 $0xFFFFFFFF;
	p2 =	slt.u32 s8, $0xFFFFF086  }
0x1c: {  	p1 =	slt.u32 s9, $0xF7A;
	s5 =	simm.s32 @!p2 $0x0  }
0x1d: {  	s5 =	simm.s32 @p1 $0x1;
	p0 =	seq.s32 s7, s2  }
0x1e: {  	s7 =	smul.u32 @!p0 $0xF7A, s2;
	p2 =	seq.s32 @!p0 s5, $0x0  }
0x1f: {  	s9 =	smul.u32 $0xF7A, s1;
	s8 =	simm.s32 @!p0 $0x1BF5;
	p2 =	por !p2, p0  }
0x20: {  	[sflag:s8] =	ssyncset.s32 @!p0 $0xFFFFF086;
	s6 =	sadd.s32 @!p0 s3, s7;
	s7 =	simm.s32 @!p0 $0x108  }
0x21: {  	s3 =	sadd.s32 s3, s9;
	s6 =	sadd.s32 @!p0 $0x88, s6;
	s7 =	simm.s32 @p2 $0x1082  }
0x22: {  	[simem:s7], [sflag:s8] =	dma.local @!p0 [hbm:s6], $0xF7A  }
0x23: {  	s9 =	sor.u32 $0xD0000000, s2;
	s6 =	simm.s32 $0x108;
	_ =	swait.ge @!p0 [sflag:s8], $0x0  }
0x24: {  	s3 =	sadd.s32 $0x88, s3;
	s6 =	simm.s32 @!p1 $0x1082;
	[sflag:s4] =	ssyncset.s32 $0xFFFFF086  }
0x25: {  	[simem:s6], [sflag:s4] =	dma.local [hbm:s3], $0xF7A  }
0x26: {  	[smem:$0x3F9F] =	sst s1;
	(tag) =	ssettag s2;
	_ =	strace s9  }
0x27: {  	s1 =	sld [smem:$0x3FAF]  }
0x28: {  	s2 =	sld [smem:$0x3FB0]  }
0x29: {  	s4 =	sld [smem:$0x3FB2]  }
0x2a: {  	p0 =	seq.s32 s5, $0x0;
	s5 =	sld [smem:$0x3FB3]  }
0x2b: {  	s6 =	sld [smem:$0x3FB4]  }
0x2c: {  	s7 =	sld [smem:$0x3FB5]  }
0x2d: {  	s3 =	simm.s32 $0x108;
	s8 =	sld [smem:$0x3FB6]  }
0x2e: {  	s3 =	simm.s32 @!p0 $0x1082;
	s9 =	sld [smem:$0x3FB7]  }
0x2f: {  	lr =	sadd.s32 s0, s3;
	s0 =	sld [smem:$0x3FAE]  }
0x30: {  	s3 =	sld [smem:$0x3FB1]  }
0x31: {  	[smem:$0x3FBA] =	sst s10  }
0x32: {  	s10 =	sld [smem:$0x3FB8];
	_ =	sdelay $0x3  }
0x33: {  	p0 =	seq.s32 s10, $0x1;
	s10 =	sld [smem:$0x3FBA];
	_ =	sdelay $0x3  }
0x34: {  	[smem:$0x3FBA] =	sst s10  }
0x35: {  	s10 =	sld [smem:$0x3FB9];
	_ =	sdelay $0x3  }
0x36: {  	p1 =	seq.s32 s10, $0x1;
	s10 =	sld [smem:$0x3FBA];
	_ =	sdelay $0x3  }
0x37: {  	[smem:$0x3FBA] =	sst s10  }
0x38: {  	s10 =	sld [smem:$0x3FBB]  }
0x39: {  	_ = 	snop;
	(pc) =	sbr.ind lr, $3  }
0x3a: {  	_ = 	snop  }
0x3b: {  	_ = 	snop  }
0x3c: {  	p2 =	seq.s32 s10, $0x1;
	s10 =	sld [smem:$0x3FBA]  }
0x3d: {  	_ =	shalt  }
0x3e: {  	_ =	shalt  }
0x3f: {  	_ =	shalt  }
0x40: {  	_ =	shalt  }
0x41: {  	_ =	shalt  }
0x42: {  	_ =	shalt  }
0x43: {  	_ =	shalt  }
0x44: {  	_ =	shalt  }
0x45: {  	_ =	shalt  }
0x46: {  	_ =	shalt  }
0x47: {  	_ =	shalt  }
0x48: {  	_ =	shalt  }
0x49: {  	_ =	shalt  }
0x4a: {  	_ =	shalt  }
0x4b: {  	_ =	shalt  }
0x4c: {  	_ =	shalt  }
0x4d: {  	_ =	shalt  }
0x4e: {  	_ =	shalt  }
0x4f: {  	_ =	shalt  }
0x50: {  	_ =	shalt  }
0x51: {  	_ =	shalt  }
0x52: {  	_ =	shalt  }
0x53: {  	_ =	shalt  }
0x54: {  	_ =	shalt  }
0x55: {  	_ =	shalt  }
0x56: {  	_ =	shalt  }
0x57: {  	_ =	shalt  }
0x58: {  	_ =	shalt  }
0x59: {  	_ =	shalt  }
0x5a: {  	_ =	shalt  }
0x5b: {  	_ =	shalt  }
0x5c: {  	_ =	shalt  }
0x5d: {  	_ =	shalt  }
0x5e: {  	_ =	shalt  }
0x5f: {  	_ =	shalt  }
0x60: {  	_ =	shalt  }
0x61: {  	_ =	shalt  }
0x62: {  	_ =	shalt  }
0x63: {  	_ =	shalt  }
0x64: {  	_ =	shalt  }
0x65: {  	_ =	shalt  }
0x66: {  	_ =	shalt  }
0x67: {  	_ =	shalt  }
0x68: {  	_ =	shalt  }
0x69: {  	_ =	shalt  }
0x6a: {  	_ =	shalt  }
0x6b: {  	_ =	shalt  }
0x6c: {  	_ =	shalt  }
0x6d: {  	_ =	shalt  }
0x6e: {  	_ =	shalt  }
0x6f: {  	_ =	shalt  }
0x70: {  	_ =	shalt  }
0x71: {  	_ =	shalt  }
0x72: {  	_ =	shalt  }
0x73: {  	_ =	shalt  }
0x74: {  	_ =	shalt  }
0x75: {  	_ =	shalt  }
0x76: {  	_ =	shalt  }
0x77: {  	_ =	shalt  }
0x78: {  	_ =	shalt  }
0x79: {  	_ =	shalt  }
0x7a: {  	_ =	shalt  }
0x7b: {  	_ =	shalt  }
0x7c: {  	_ =	shalt  }
0x7d: {  	_ =	shalt  }
0x7e: {  	_ =	shalt  }
0x7f: {  	_ =	shalt  }
0x80: {  	_ =	shalt  }
0x81: {  	_ =	shalt  }
0x82: {  	_ =	shalt  }
0x83: {  	_ =	shalt  }
0x84: {  	_ =	shalt  }
0x85: {  	_ =	shalt  }
0x86: {  	_ =	shalt  }
0x87: {  	_ =	shalt  }
.Lfunc_end0:
.L_simem_size_0:
called_computation_lowered:
.L_overlay_start_0:
0x88: {  	s2 =	sld [smem:$0x3FD9]  }
0x89: {  	s3 =	sld [smem:$0x3FFE];
	_ =	sdelay $0x1  }
0x8a: {  	s1 =	srdreg.scid  }
0x8b: {  	s0 =	sand.u32 $0x1, s1  }
0x8c: {  	s18 =	sshll.u32 s0, $0xA;
	s2 =	sadd.s32 s3, s2  }
0x8d: {  	s2 =	sadd.s32 s2, s18  }
0x8e: {  	[smem:$0x3FC6] =	sst s2  }
0x8f: {  	_ = 	snop  }
0x90: {  	s2 =	sld [smem:$0x3FC9]  }
0x91: {  	s19 =	sld [smem:$0x3FC8]  }
0x92: {  	s4 =	sld [smem:$0x3FD0];
	(tm) =	ssettm $0x1  }
0x93: {  	s5 =	sld [smem:$0x3FFB];
	_ =	sdelay $0x3  }
0x94: {  	_ =	strace s5  }
0x95: {  	s5 =	sld [smem:$0x3FFC];
	_ =	sdelay $0x3  }
0x96: {  	_ =	strace s5  }
0x97: {  	s5 =	sld [smem:$0x3FFD];
	_ =	sdelay $0x3  }
0x98: {  	_ =	strace s5  }
0x99: {  	_ =	strace $0x8FFFFFFF  }
0x9a: {  	s20 =	sld [smem:$0x3FDB];
	_ =	sdelay $0x1  }
0x9b: {  	s6 =	simm.s32 $_scs_section_size  }
0x9c: {  	s7 =	simm.s32 $_size__tile_overlayer_lowered;
	s8 =	simm.s32 $_tile_overlayer_lowered  }
0x9d: {  	s23 =	simm.s32 $0x1BFF;
	s22 =	sshll.u32 s8, $0x1;
	s5 =	sadd.s32 s6, s20  }
0x9e: {  	s9 =	simm.s32 $0x0;
	s21 =	sshll.u32 s7, $0x1;
	s7 =	sadd.s32 s22, s5  }
0x9f: {  	[timem:s9], [sflag:s23] =	dma.local [hbm:s7], s21  }
0xa0: {  	_ =	swait.ge [sflag:s23], s21  }
0xa1: {  	s6 =	ssub.s32 $0x0, s21;
	[sflag:s23] =	ssyncset.done $0x0  }
0xa2: {  	[sflag:s23] =	ssyncadd.s32 s6;
	_ =	sdelay $0x1  }
0xa3: {  	s24 =	simm.s32 $0x1B8B  }
0xa4: {  	_ =	swait.ge [sflag:s24], $0x1  }
0xa5: {  	[sflag:s24] =	ssyncset.done $0x0  }
0xa6: {  	s25 =	simm.s32 $0x1B8E;
	[sflag:s24] =	ssyncadd.s32 $0xFFFFFFFF  }
0xa7: {  	s26 =	simm.s32 $execute0_lowered;
	[smem:$0x3FD2] =	sst s25  }
0xa8: {  	s6 =	sshll.u32 s26, $0x1;
	_ =	strace $0x80000046;
	[dreg:$0x1] =	wrdreg $0xFFFFFFFF  }
0xa9: {  	s28 =	simm.s32 $_size_execute0_lowered;
	s5 =	sadd.s32 s5, s6;
	[dreg:$0x0] =	wrdreg $0x0  }
0xaa: {  	s6 =	sshll.u32 s28, $0x1;
	[dreg:$0x2] =	wrdreg s5  }
0xab: {  	[dreg:$0x3] =	wrdreg s6  }
0xac: {  	[dreg:$0x4] =	wrdreg $0xC0  }
0xad: {  	_ =	task [dreg:s9], $0x5FFFF  }
0xae: {  	[dreg:$0x1] =	wrdreg $0xFFFFFFFF  }
0xaf: {  	[dreg:$0x0] =	wrdreg $0x60  }
0xb0: {  	[dreg:$0x2] =	wrdreg s2  }
0xb1: {  	[dreg:$0x3] =	wrdreg s19  }
0xb2: {  	[dreg:$0x4] =	wrdreg s4  }
0xb3: {  	[dreg:$0x5] =	wrdreg $0x9  }
0xb4: {  	_ =	task.clear_ibuf [dreg:s9], $0x6FFFF;
	_ =	strace $0x90000046  }
0xb5: {  	s29 =	simm.s32 $0x9;
	_ =	strace $0x80000048  }
0xb6: {  	_ =	swait.ge [sflag:s29], $0x1  }
0xb7: {  	[sflag:s29] =	ssyncadd.s32 $0xFFFFFFFF  }
0xb8: {  	_ =	strace $0x90000048  }
0xb9: {  	_ =	sfence  }
0xba: {  	s30 =	sld [smem:$0x0];
	_ =	sdelay $0x2  }
0xbb: {  	s31 =	sshll.u32 s1, $0xD;
	s1 =	sshrl.u32 s1, $0x2  }
0xbc: {  	s3 =	sand.u32 $0x4000, s31;
	s1 =	sadd.s32 s1, s30  }
0xbd: {  	s0 =	sor.u32 s3, s0;
	s1 =	sshll.u32 s1, $0x11  }
0xbe: {  	s0 =	sor.u32 s1, s0  }
0xbf: {  	s0 =	sadd.s32 $0x8F2B, s0  }
0xc0: {  	[sflag:s0] =	ssyncadd.remote.s32 $0x1  }
0xc1: {  	_ =	sfence.sel $0xFFFF  }
0xc2: {  	[dreg:$0x0] =	wrdreg $0xFFFFFFFF;
	(pc) =	sbr.abs _section_cstart, $3  }
0xc3: {  	[dreg:$0x1] =	wrdreg $0xFFFFFFFF  }
0xc4: {  	_ =	task.clear_ibuf [dreg:s9], $0x2FFFF;
	_ =	strace $0x9FFFFFFF  }
0xc5: {  	(tm) =	ssettm $0x7FFFFFFF  }
tec
execute0_lowered:
.L_overlay_start_1:
0x0: {  	(tag) =	ssettag $0x1  }
0x1: {  	s6 =	rddreg [dreg:$0x0]  }
0x2: {  	s2 =	rddreg [dreg:$0x1]  }
0x3: {  	s1 =	srdreg.scid;
	s0 =	stileid.u32  }
0x4: {  	s3 =	rddreg [dreg:$0x2];
	s4 =	simm.s32 $0x0;
	s11 =	simm.s32 $0x3  }
0x5: {  	s12 =	simm.s32 $0x12E50;
	s13 =	simm.s32 $0x15050;
	s14 =	simm.s32 $0x1  }
0x6: {  	s15 =	simm.s32 $0x2;
	s5 =	sand.u32 $0x1, s1;
	s7 =	sshll.u32 s0, $0x1  }
0x7: {  	v1 =	vlaneseq.u32;
	s16 =	simm.s32 $0x0;
	s1 =	rddreg [dreg:$0x3];
	s7 =	sor.u32 s5, s7  }
0x8: {  	[smem:$0x7FF] =	sst s4;
	v0 =	vmul.u32 $0x3E9, v1;
	v1 =	vmul.u32 $0x88, v1;
	s8 =	ssub.s32 $0x2, s5;
	s9 =	smul.u32 $0x680, s7  }
0x9: {  	_ =	strace $0x80000047;
	s10 =	sshrl.u32 s8, $0x1;
	s5 =	sshll.u32 s7, $0x9  }
0xa: {  	v2 =	vadd.s32 $0x3E90, v0;
	v3 =	vadd.s32 $0x880, v1;
	v4 =	vadd.s32 $0x7D20, v0;
	s10 =	ssub.s32 s8, s10;
	s7 =	sadd.s32 s3, s5;
	s6 =	sadd.s32 s6, s9  }
0xb: {  	v5 =	vadd.s32 $0x1100, v1;
	v6 =	vadd.s32 $0xBBB0, v0;
	v7 =	vadd.s32 $0x1980, v1;
	s8 =	sadd.s32 $0x20000, s7;
	s9 =	smax.u32 s10, $0x1;
	s10 =	simm.s32 $0x3410  }
.LBB2_1:
0xc: {  	[tilespmem:s10], [sflag:$0x3] =	stream.linear.gather [hbm4b:s2+s4], $0xFA40, $0x38;
	[tilespmem:$0x17250] =	vst v63  }
0xd: {  	_ =	swait.ge [sflag:s11], $0xFA40  }
0xe: {  	[sflag:s11] =	ssyncset.done $0x0  }
0xf: {  	[sflag:s11] =	ssyncadd.s32 $0xFFFF05C0  }
0x10: {  	[tilespmem:s4], [sflag:$0x3] =	stream.linear.gather [hbm4b:s6+s4], $0x3400, $0x38;
	[tilespmem:$0x17250] =	vst v63  }
0x11: {  	_ =	swait.ge [sflag:s11], $0x3400  }
0x12: {  	[sflag:s11] =	ssyncset.done $0x0  }
0x13: {  	[sflag:s11] =	ssyncadd.s32 $0xFFFFCC00  }
0x14: {  	v13 =	vld.msk [tilespmem:s4+$0x0 ss:$0x0], $0xffff;
	_ =	sdelay $0x3  }
0x15: {  	s17 =	simm.s32 $0x1A  }
0x16: {  	v16 =	vld.msk [tilespmem:s17+$0x0 ss:$0x0], $0xffff;
	v8 =	vadd.s32 v0, v13;
	_ =	sdelay $0x2  }
0x17: {  	s25 =	simm.s32 $0x34;
	v10 =	vmov s4  }
0x18: {  	v27 =	vand.u32 $0x7F, v10;
	v9 =	vld.msk [tilespmem:s25+$0x0 ss:$0x0], $0xffff  }
0x19: {  	v14 =	vadd.s32 v1, v27;
	v12 =	vadd.s32 v0, v16;
	v11 =	vld.idx.msk [tilespmem:v8+s10+$0x0], $0xffff  }
0x1a: {  	v15 =	vadd.s32 v2, v13  }
0x1b: {  	s26 =	simm.s32 $0x1  }
0x1c: {  	s18 =	simm.s32 $0x4E;
	v8 =	vmov s26  }
0x1d: {  	v10 =	vld.msk [tilespmem:s18+$0x0 ss:$0x0], $0xffff;
	v8 =	vand.u32 $0x7F, v8  }
0x1e: {  	v17 =	vld.idx.msk [tilespmem:v12+s10+$0x0], $0xffff;
	v18 =	vadd.s32 v1, v8;
	[tilespmem:v14+s12+$0x0] =	vst.idx.msk $0xffff, v11;
	v14 =	vadd.s32 v0, v9  }
0x1f: {  	v20 =	vadd.s32 v3, v27;
	v19 =	vadd.s32 v2, v16;
	v15 =	vld.idx.msk [tilespmem:v15+s10+$0x0], $0xffff  }
0x20: {  	s28 =	simm.s32 $0x2;
	v21 =	vadd.s32 v4, v13  }
0x21: {  	s29 =	simm.s32 $0x68;
	v11 =	vmov s28  }
0x22: {  	v12 =	vld.msk [tilespmem:s29+$0x0 ss:$0x0], $0xffff;
	v11 =	vand.u32 $0x7F, v11  }
0x23: {  	[tilespmem:v18+s12+$0x0] =	vst.idx.msk $0xffff, v17;
	v17 =	vadd.s32 v0, v10;
	v18 =	vadd.s32 v1, v11;
	v23 =	vld.idx.msk [tilespmem:v14+s10+$0x0], $0xffff  }
0x24: {  	v24 =	vadd.s32 v3, v8;
	v19 =	vld.idx.msk [tilespmem:v19+s10+$0x0], $0xffff;
	[tilespmem:v20+s12+$0x0] =	vst.idx.msk $0xffff, v15;
	v15 =	vadd.s32 v2, v9  }
0x25: {  	s30 =	simm.s32 $0x3;
	v29 =	vadd.s32 v5, v27;
	v28 =	vadd.s32 v4, v16;
	v21 =	vld.idx.msk [tilespmem:v21+s10+$0x0], $0xffff  }
0x26: {  	s31 =	simm.s32 $0x82;
	v30 =	vadd.s32 v6, v13;
	v13 =	vmov s30  }
0x27: {  	v13 =	vand.u32 $0x7F, v13;
	v14 =	vld.msk [tilespmem:s31+$0x0 ss:$0x0], $0xffff  }
0x28: {  	v25 =	vadd.s32 v1, v13;
	v26 =	vadd.s32 v0, v12;
	v22 =	vld.idx.msk [tilespmem:v17+s10+$0x0], $0xffff;
	[tilespmem:v18+s12+$0x0] =	vst.idx.msk $0xffff, v23  }
0x29: {  	[tilespmem:v24+s12+$0x0] =	vst.idx.msk $0xffff, v19;
	v24 =	vadd.s32 v2, v10;
	v23 =	vadd.s32 v3, v11;
	v20 =	vld.idx.msk [tilespmem:v15+s10+$0x0], $0xffff  }
0x2a: {  	s19 =	simm.s32 $0x6;
	v17 =	vld.idx.msk [tilespmem:v28+s10+$0x0], $0xffff;
	v18 =	vadd.s32 v5, v8;
	[tilespmem:v29+s12+$0x0] =	vst.idx.msk $0xffff, v21;
	v21 =	vadd.s32 v4, v9  }
0x2b: {  	s20 =	simm.s32 $0x9C;
	s18 =	simm.s32 $0x4;
	s17 =	simm.s32 $0x5;
	v19 =	vadd.s32 v6, v16;
	v16 =	vadd.s32 v7, v27;
	v15 =	vld.idx.msk [tilespmem:v30+s10+$0x0], $0xffff  }
.LBB2_2:
0x2c: {  	v27 =	vmov s18;
	v28 =	vmovc v14;
	v14 =	vld.msk [tilespmem:s20+$0x0 ss:$0x0], $0xffff;
	v29 =	vmovc v8;
	v8 =	vmov v11;
	v11 =	vmov v13;
	s18 =	smov.u32 s17;
	s17 =	smov.u32 s19;
	p0 =	sne.s32 s19, $0x7F  }
.Ltmp0:
0x2d: {  	v13 =	vand.u32 $0x7F, v27;
	[tilespmem:v25+s12+$0x0] =	vst.idx.msk $0xffff, v22;
	v22 =	vld.idx.msk [tilespmem:v26+s10+$0x0], $0xffff;
	(pc) =	sbr.rel @p0 .LBB2_2-.Ltmp0, $4  }
0x2e: {  	s19 =	sadd.s32 $0x1, s19;
	v26 =	vadd.s32 v0, v28;
	v25 =	vadd.s32 v1, v13;
	[tilespmem:v23+s12+$0x0] =	vst.idx.msk $0xffff, v20;
	v20 =	vld.idx.msk [tilespmem:v24+s10+$0x0], $0xffff  }
0x2f: {  	v24 =	vadd.s32 v2, v12;
	v23 =	vadd.s32 v3, v11;
	[tilespmem:v18+s12+$0x0] =	vst.idx.msk $0xffff, v17;
	v17 =	vld.idx.msk [tilespmem:v21+s10+$0x0], $0xffff  }
0x30: {  	v21 =	vadd.s32 v4, v10;
	v18 =	vadd.s32 v5, v8;
	[tilespmem:v16+s12+$0x0] =	vst.idx.msk $0xffff, v15;
	v15 =	vld.idx.msk [tilespmem:v19+s10+$0x0], $0xffff  }
0x31: {  	s20 =	sadd.s32 $0x1A, s20;
	v19 =	vadd.s32 v6, v9;
	v16 =	vadd.s32 v7, v29;
	v9 =	vmovc v10;
	v10 =	vmovc v12;
	v12 =	vmov v28  }
0x32: {  	v27 =	vadd.s32 v0, v14;
	_ =	sdelay $0x1  }
0x33: {  	v28 =	vmov s18  }
0x34: {  	v29 =	vmov s17;
	v28 =	vand.u32 $0x7F, v28  }
0x35: {  	v26 =	vld.idx.msk [tilespmem:v26+s10+$0x0], $0xffff;
	v29 =	vand.u32 $0x7F, v29;
	v30 =	vadd.s32 v1, v28  }
0x36: {  	v31 =	vadd.s32 v2, v12;
	v32 =	vadd.s32 v1, v29;
	v27 =	vld.idx.msk [tilespmem:v27+s10+$0x0], $0xffff  }
0x37: {  	v33 =	vadd.s32 v2, v14;
	_ =	sdelay $0x1  }
0x38: {  	[tilespmem:v25+s12+$0x0] =	vst.idx.msk $0xffff, v22  }
0x39: {  	v44 =	vadd.s32 v3, v13;
	v22 =	vld.idx.msk [tilespmem:v24+s10+$0x0], $0xffff;
	[tilespmem:v30+s12+$0x0] =	vst.idx.msk $0xffff, v26  }
0x3a: {  	v45 =	vadd.s32 v4, v10;
	v46 =	vadd.s32 v3, v28;
	v26 =	vld.idx.msk [tilespmem:v31+s10+$0x0], $0xffff;
	[tilespmem:v32+s12+$0x0] =	vst.idx.msk $0xffff, v27  }
0x3b: {  	v47 =	vadd.s32 v4, v12;
	v49 =	vadd.s32 v3, v29;
	v48 =	vld.idx.msk [tilespmem:v33+s10+$0x0], $0xffff  }
0x3c: {  	v50 =	vadd.s32 v4, v14  }
0x3d: {  	[tilespmem:v23+s12+$0x0] =	vst.idx.msk $0xffff, v20  }
0x3e: {  	v51 =	vadd.s32 v5, v11;
	v20 =	vld.idx.msk [tilespmem:v21+s10+$0x0], $0xffff;
	[tilespmem:v44+s12+$0x0] =	vst.idx.msk $0xffff, v22  }
0x3f: {  	v9 =	vadd.s32 v6, v9;
	v52 =	vadd.s32 v5, v13;
	v22 =	vld.idx.msk [tilespmem:v45+s10+$0x0], $0xffff;
	[tilespmem:v46+s12+$0x0] =	vst.idx.msk $0xffff, v26  }
0x40: {  	v53 =	vadd.s32 v6, v10;
	v55 =	vadd.s32 v5, v28;
	v54 =	vld.idx.msk [tilespmem:v47+s10+$0x0], $0xffff;
	[tilespmem:v49+s12+$0x0] =	vst.idx.msk $0xffff, v48  }
0x41: {  	v56 =	vadd.s32 v6, v12;
	v58 =	vadd.s32 v5, v29;
	v57 =	vld.idx.msk [tilespmem:v50+s10+$0x0], $0xffff  }
0x42: {  	v59 =	vadd.s32 v6, v14;
	[tilespmem:v18+s12+$0x0] =	vst.idx.msk $0xffff, v17  }
0x43: {  	v8 =	vadd.s32 v7, v8;
	v17 =	vld.idx.msk [tilespmem:v19+s10+$0x0], $0xffff;
	[tilespmem:v51+s12+$0x0] =	vst.idx.msk $0xffff, v20  }
0x44: {  	v60 =	vadd.s32 v7, v11;
	v9 =	vld.idx.msk [tilespmem:v9+s10+$0x0], $0xffff;
	[tilespmem:v52+s12+$0x0] =	vst.idx.msk $0xffff, v22  }
0x45: {  	v61 =	vadd.s32 v7, v13;
	v10 =	vld.idx.msk [tilespmem:v53+s10+$0x0], $0xffff;
	[tilespmem:v55+s12+$0x0] =	vst.idx.msk $0xffff, v54  }
0x46: {  	v62 =	vadd.s32 v7, v28;
	v12 =	vld.idx.msk [tilespmem:v56+s10+$0x0], $0xffff;
	[tilespmem:v58+s12+$0x0] =	vst.idx.msk $0xffff, v57  }
0x47: {  	v63 =	vadd.s32 v7, v29;
	[tilespmem:v16+s12+$0x0] =	vst.idx.msk $0xffff, v15;
	v14 =	vld.idx.msk [tilespmem:v59+s10+$0x0], $0xffff  }
0x48: {  	[tilespmem:v8+s12+$0x0] =	vst.idx.msk $0xffff, v17  }
0x49: {  	[tilespmem:v60+s12+$0x0] =	vst.idx.msk $0xffff, v9  }
0x4a: {  	[tilespmem:v61+s12+$0x0] =	vst.idx.msk $0xffff, v10  }
0x4b: {  	[tilespmem:v62+s12+$0x0] =	vst.idx.msk $0xffff, v12  }
0x4c: {  	s17 =	simm.s32 $0x0;
	s19 =	simm.s32 $0x12E50;
	[tilespmem:v63+s12+$0x0] =	vst.idx.msk $0xffff, v14  }
0x4d: {  	[hbm4b:s7+s17] =	stream.linear.scatter [tilespmem:s19], [sflag:$0x1], $0x80, $0x38;
	[tilespmem:$0x17250] =	vst v63  }
0x4e: {  	s20 =	simm.s32 $0x12ED8;
	s19 =	sadd.s32 $0x10, s7  }
0x4f: {  	[hbm4b:s19+s17] =	stream.linear.scatter [tilespmem:s20], [sflag:$0x1], $0x80, $0x38;
	[tilespmem:$0x17250] =	vst v63  }
0x50: {  	s21 =	simm.s32 $0x12F60;
	s22 =	sadd.s32 $0x20, s7;
	s23 =	simm.s32 $0x12FE8  }
0x51: {  	[hbm4b:s22+s17] =	stream.linear.scatter [tilespmem:s21], [sflag:$0x1], $0x80, $0x38;
	[tilespmem:$0x17250] =	vst v63  }
0x52: {  	s24 =	sadd.s32 $0x30, s7;
	s25 =	simm.s32 $0x13070;
	s26 =	sadd.s32 $0x40, s7  }
0x53: {  	[hbm4b:s24+s17] =	stream.linear.scatter [tilespmem:s23], [sflag:$0x1], $0x80, $0x38;
	[tilespmem:$0x17250] =	vst v63  }
0x54: {  	s28 =	simm.s32 $0x130F8;
	s29 =	sadd.s32 $0x50, s7;
	s30 =	simm.s32 $0x13180  }
0x55: {  	[hbm4b:s26+s17] =	stream.linear.scatter [tilespmem:s25], [sflag:$0x1], $0x80, $0x38;
	[tilespmem:$0x17250] =	vst v63  }
0x56: {  	s31 =	sadd.s32 $0x60, s7;
	s18 =	simm.s32 $0x440;
	s20 =	simm.s32 $0x2200  }
0x57: {  	[hbm4b:s29+s17] =	stream.linear.scatter [tilespmem:s28], [sflag:$0x1], $0x80, $0x38;
	[tilespmem:$0x17250] =	vst v63  }
0x58: {  	s19 =	sadd.s32 $0x4000, s7;
	s21 =	simm.s32 $0x13208;
	s22 =	sadd.s32 $0x70, s7  }
0x59: {  	[hbm4b:s31+s17] =	stream.linear.scatter [tilespmem:s30], [sflag:$0x1], $0x80, $0x38;
	[tilespmem:$0x17250] =	vst v63  }
.LBB2_4:
0x5a: {  	[hbm4b:s22+s17] =	stream.linear.scatter [tilespmem:s21], [sflag:$0x1], $0x80, $0x38;
	[tilespmem:$0x17250] =	vst v63  }
0x5b: {  	s21 =	smov.u32 s18;
	s18 =	smov.u32 s20  }
0x5c: {  	s23 =	sadd.s32 $0x1100, s20;
	s18 =	sshra.s32 s18, $0x2;
	s22 =	sadd.s32 $0x12E50, s21  }
0x5d: {  	[hbm4b:s19+s17] =	stream.linear.scatter [tilespmem:s22], [sflag:$0x1], $0x80, $0x38;
	[tilespmem:$0x17250] =	vst v63  }
0x5e: {  	p0 =	sne.s32 s20, $0x7700;
	s20 =	sadd.s32 $0x12ED8, s21;
	s22 =	sadd.s32 $0x10, s19  }
0x5f: {  	[hbm4b:s22+s17] =	stream.linear.scatter [tilespmem:s20], [sflag:$0x1], $0x80, $0x38;
	[tilespmem:$0x17250] =	vst v63  }
0x60: {  	s20 =	sadd.s32 $0x12F60, s21;
	s22 =	sadd.s32 $0x20, s19  }
0x61: {  	[hbm4b:s22+s17] =	stream.linear.scatter [tilespmem:s20], [sflag:$0x1], $0x80, $0x38;
	[tilespmem:$0x17250] =	vst v63  }
0x62: {  	s20 =	sadd.s32 $0x12FE8, s21;
	s22 =	sadd.s32 $0x30, s19  }
0x63: {  	[hbm4b:s22+s17] =	stream.linear.scatter [tilespmem:s20], [sflag:$0x1], $0x80, $0x38;
	[tilespmem:$0x17250] =	vst v63  }
0x64: {  	s20 =	sadd.s32 $0x13070, s21;
	s22 =	sadd.s32 $0x40, s19  }
0x65: {  	[hbm4b:s22+s17] =	stream.linear.scatter [tilespmem:s20], [sflag:$0x1], $0x80, $0x38;
	[tilespmem:$0x17250] =	vst v63  }
.Ltmp1:
0x66: {  	s20 =	sadd.s32 $0x130F8, s21;
	s22 =	sadd.s32 $0x50, s19;
	(pc) =	sbr.rel @p0 .LBB2_4-.Ltmp1, $4  }
0x67: {  	[hbm4b:s22+s17] =	stream.linear.scatter [tilespmem:s20], [sflag:$0x1], $0x80, $0x38;
	[tilespmem:$0x17250] =	vst v63  }
0x68: {  	s20 =	sadd.s32 $0x13180, s21;
	s22 =	sadd.s32 $0x60, s19;
	s21 =	sadd.s32 $0x13208, s21  }
0x69: {  	[hbm4b:s22+s17] =	stream.linear.scatter [tilespmem:s20], [sflag:$0x1], $0x80, $0x38;
	[tilespmem:$0x17250] =	vst v63  }
0x6a: {  	s22 =	sadd.s32 $0x70, s19;
	s19 =	sadd.s32 $0x4000, s19;
	s20 =	smov.u32 s23  }
0x6b: {  	[hbm4b:s22+s17] =	stream.linear.scatter [tilespmem:s21], [sflag:$0x1], $0x80, $0x38;
	[tilespmem:$0x17250] =	vst v63  }
0x6c: {  	s20 =	sadd.s32 $0x12E50, s18  }
0x6d: {  	[hbm4b:s19+s17] =	stream.linear.scatter [tilespmem:s20], [sflag:$0x1], $0x80, $0x38;
	[tilespmem:$0x17250] =	vst v63  }
0x6e: {  	s30 =	sadd.s32 $0x12ED8, s18;
	s31 =	sadd.s32 $0x10, s19  }
0x6f: {  	[hbm4b:s31+s17] =	stream.linear.scatter [tilespmem:s30], [sflag:$0x1], $0x80, $0x38;
	[tilespmem:$0x17250] =	vst v63  }
0x70: {  	s21 =	sadd.s32 $0x12F60, s18;
	s22 =	sadd.s32 $0x20, s19  }
0x71: {  	[hbm4b:s22+s17] =	stream.linear.scatter [tilespmem:s21], [sflag:$0x1], $0x80, $0x38;
	[tilespmem:$0x17250] =	vst v63  }
0x72: {  	s23 =	sadd.s32 $0x12FE8, s18;
	s24 =	sadd.s32 $0x30, s19  }
0x73: {  	[hbm4b:s24+s17] =	stream.linear.scatter [tilespmem:s23], [sflag:$0x1], $0x80, $0x38;
	[tilespmem:$0x17250] =	vst v63  }
0x74: {  	s25 =	sadd.s32 $0x13070, s18;
	s26 =	sadd.s32 $0x40, s19  }
0x75: {  	[hbm4b:s26+s17] =	stream.linear.scatter [tilespmem:s25], [sflag:$0x1], $0x80, $0x38;
	[tilespmem:$0x17250] =	vst v63  }
0x76: {  	s28 =	sadd.s32 $0x130F8, s18;
	s29 =	sadd.s32 $0x50, s19  }
0x77: {  	[hbm4b:s29+s17] =	stream.linear.scatter [tilespmem:s28], [sflag:$0x1], $0x80, $0x38;
	[tilespmem:$0x17250] =	vst v63  }
0x78: {  	s30 =	sadd.s32 $0x13180, s18;
	s31 =	sadd.s32 $0x60, s19  }
0x79: {  	[hbm4b:s31+s17] =	stream.linear.scatter [tilespmem:s30], [sflag:$0x1], $0x80, $0x38;
	[tilespmem:$0x17250] =	vst v63  }
0x7a: {  	s20 =	sadd.s32 $0x13208, s18;
	s21 =	sadd.s32 $0x70, s19;
	s22 =	simm.s32 $0x1  }
0x7b: {  	[hbm4b:s21+s17] =	stream.linear.scatter [tilespmem:s20], [sflag:$0x1], $0x80, $0x38;
	[tilespmem:$0x17250] =	vst v63  }
0x7c: {  	v13 =	vld.msk [tilespmem:s22+$0x0 ss:$0x0], $0xffff;
	_ =	sdelay $0x3  }
0x7d: {  	s23 =	simm.s32 $0x1B  }
0x7e: {  	v16 =	vld.msk [tilespmem:s23+$0x0 ss:$0x0], $0xffff;
	v8 =	vadd.s32 v0, v13;
	_ =	sdelay $0x2  }
0x7f: {  	v10 =	vmov s17;
	s24 =	simm.s32 $0x35  }
0x80: {  	v27 =	vand.u32 $0x7F, v10;
	v9 =	vld.msk [tilespmem:s24+$0x0 ss:$0x0], $0xffff  }
0x81: {  	v14 =	vadd.s32 v1, v27;
	v12 =	vadd.s32 v0, v16;
	v11 =	vld.idx.msk [tilespmem:v8+s10+$0x0], $0xffff  }
0x82: {  	v15 =	vadd.s32 v2, v13  }
0x83: {  	s25 =	simm.s32 $0x1  }
0x84: {  	s26 =	simm.s32 $0x4F;
	v8 =	vmov s25  }
0x85: {  	v10 =	vld.msk [tilespmem:s26+$0x0 ss:$0x0], $0xffff;
	v8 =	vand.u32 $0x7F, v8  }
0x86: {  	v17 =	vld.idx.msk [tilespmem:v12+s10+$0x0], $0xffff;
	v18 =	vadd.s32 v1, v8;
	[tilespmem:v14+s13+$0x0] =	vst.idx.msk $0xffff, v11;
	v14 =	vadd.s32 v0, v9  }
0x87: {  	v20 =	vadd.s32 v3, v27;
	v19 =	vadd.s32 v2, v16;
	v15 =	vld.idx.msk [tilespmem:v15+s10+$0x0], $0xffff  }
0x88: {  	s28 =	simm.s32 $0x2;
	v21 =	vadd.s32 v4, v13  }
0x89: {  	s29 =	simm.s32 $0x69;
	v11 =	vmov s28  }
0x8a: {  	v12 =	vld.msk [tilespmem:s29+$0x0 ss:$0x0], $0xffff;
	v11 =	vand.u32 $0x7F, v11  }
0x8b: {  	[tilespmem:v18+s13+$0x0] =	vst.idx.msk $0xffff, v17;
	v17 =	vadd.s32 v0, v10;
	v18 =	vadd.s32 v1, v11;
	v23 =	vld.idx.msk [tilespmem:v14+s10+$0x0], $0xffff  }
0x8c: {  	v24 =	vadd.s32 v3, v8;
	v19 =	vld.idx.msk [tilespmem:v19+s10+$0x0], $0xffff;
	[tilespmem:v20+s13+$0x0] =	vst.idx.msk $0xffff, v15;
	v15 =	vadd.s32 v2, v9  }
0x8d: {  	v29 =	vadd.s32 v5, v27;
	s30 =	simm.s32 $0x3;
	v28 =	vadd.s32 v4, v16;
	v21 =	vld.idx.msk [tilespmem:v21+s10+$0x0], $0xffff  }
0x8e: {  	s31 =	simm.s32 $0x83;
	v30 =	vadd.s32 v6, v13;
	v13 =	vmov s30  }
0x8f: {  	v13 =	vand.u32 $0x7F, v13;
	v14 =	vld.msk [tilespmem:s31+$0x0 ss:$0x0], $0xffff  }
0x90: {  	v25 =	vadd.s32 v1, v13;
	v26 =	vadd.s32 v0, v12;
	v22 =	vld.idx.msk [tilespmem:v17+s10+$0x0], $0xffff;
	[tilespmem:v18+s13+$0x0] =	vst.idx.msk $0xffff, v23  }
0x91: {  	[tilespmem:v24+s13+$0x0] =	vst.idx.msk $0xffff, v19;
	v24 =	vadd.s32 v2, v10;
	v23 =	vadd.s32 v3, v11;
	v20 =	vld.idx.msk [tilespmem:v15+s10+$0x0], $0xffff  }
0x92: {  	s18 =	simm.s32 $0x4;
	v17 =	vld.idx.msk [tilespmem:v28+s10+$0x0], $0xffff;
	v18 =	vadd.s32 v5, v8;
	[tilespmem:v29+s13+$0x0] =	vst.idx.msk $0xffff, v21;
	v21 =	vadd.s32 v4, v9  }
0x93: {  	s19 =	simm.s32 $0x6;
	s17 =	simm.s32 $0x5;
	s20 =	simm.s32 $0x9D;
	v19 =	vadd.s32 v6, v16;
	v16 =	vadd.s32 v7, v27;
	v15 =	vld.idx.msk [tilespmem:v30+s10+$0x0], $0xffff  }
.LBB2_6:
0x94: {  	v27 =	vmov s18;
	v28 =	vmovc v14;
	v14 =	vld.msk [tilespmem:s20+$0x0 ss:$0x0], $0xffff;
	v29 =	vmovc v8;
	v8 =	vmov v11;
	v11 =	vmov v13;
	s18 =	smov.u32 s17;
	s17 =	smov.u32 s19;
	p0 =	sne.s32 s19, $0x7F  }
.Ltmp2:
0x95: {  	v13 =	vand.u32 $0x7F, v27;
	[tilespmem:v25+s13+$0x0] =	vst.idx.msk $0xffff, v22;
	v22 =	vld.idx.msk [tilespmem:v26+s10+$0x0], $0xffff;
	(pc) =	sbr.rel @p0 .LBB2_6-.Ltmp2, $4  }
0x96: {  	s19 =	sadd.s32 $0x1, s19;
	v26 =	vadd.s32 v0, v28;
	v25 =	vadd.s32 v1, v13;
	[tilespmem:v23+s13+$0x0] =	vst.idx.msk $0xffff, v20;
	v20 =	vld.idx.msk [tilespmem:v24+s10+$0x0], $0xffff  }
0x97: {  	v24 =	vadd.s32 v2, v12;
	v23 =	vadd.s32 v3, v11;
	[tilespmem:v18+s13+$0x0] =	vst.idx.msk $0xffff, v17;
	v17 =	vld.idx.msk [tilespmem:v21+s10+$0x0], $0xffff  }
0x98: {  	v21 =	vadd.s32 v4, v10;
	v18 =	vadd.s32 v5, v8;
	[tilespmem:v16+s13+$0x0] =	vst.idx.msk $0xffff, v15;
	v15 =	vld.idx.msk [tilespmem:v19+s10+$0x0], $0xffff  }
0x99: {  	s20 =	sadd.s32 $0x1A, s20;
	v19 =	vadd.s32 v6, v9;
	v16 =	vadd.s32 v7, v29;
	v9 =	vmovc v10;
	v10 =	vmovc v12;
	v12 =	vmov v28  }
0x9a: {  	v27 =	vadd.s32 v0, v14;
	_ =	sdelay $0x1  }
0x9b: {  	v28 =	vmov s18  }
0x9c: {  	v29 =	vmov s17;
	v28 =	vand.u32 $0x7F, v28  }
0x9d: {  	v26 =	vld.idx.msk [tilespmem:v26+s10+$0x0], $0xffff;
	v29 =	vand.u32 $0x7F, v29;
	v30 =	vadd.s32 v1, v28  }
0x9e: {  	v31 =	vadd.s32 v2, v12;
	v32 =	vadd.s32 v1, v29;
	v27 =	vld.idx.msk [tilespmem:v27+s10+$0x0], $0xffff  }
0x9f: {  	v33 =	vadd.s32 v2, v14;
	_ =	sdelay $0x1  }
0xa0: {  	[tilespmem:v25+s13+$0x0] =	vst.idx.msk $0xffff, v22  }
0xa1: {  	v44 =	vadd.s32 v3, v13;
	v22 =	vld.idx.msk [tilespmem:v24+s10+$0x0], $0xffff;
	[tilespmem:v30+s13+$0x0] =	vst.idx.msk $0xffff, v26  }
0xa2: {  	v45 =	vadd.s32 v4, v10;
	v46 =	vadd.s32 v3, v28;
	v26 =	vld.idx.msk [tilespmem:v31+s10+$0x0], $0xffff;
	[tilespmem:v32+s13+$0x0] =	vst.idx.msk $0xffff, v27  }
0xa3: {  	v47 =	vadd.s32 v4, v12;
	v49 =	vadd.s32 v3, v29;
	v48 =	vld.idx.msk [tilespmem:v33+s10+$0x0], $0xffff  }
0xa4: {  	v50 =	vadd.s32 v4, v14  }
0xa5: {  	[tilespmem:v23+s13+$0x0] =	vst.idx.msk $0xffff, v20  }
0xa6: {  	v51 =	vadd.s32 v5, v11;
	v20 =	vld.idx.msk [tilespmem:v21+s10+$0x0], $0xffff;
	[tilespmem:v44+s13+$0x0] =	vst.idx.msk $0xffff, v22  }
0xa7: {  	v9 =	vadd.s32 v6, v9;
	v52 =	vadd.s32 v5, v13;
	v22 =	vld.idx.msk [tilespmem:v45+s10+$0x0], $0xffff;
	[tilespmem:v46+s13+$0x0] =	vst.idx.msk $0xffff, v26  }
0xa8: {  	v53 =	vadd.s32 v6, v10;
	v55 =	vadd.s32 v5, v28;
	v54 =	vld.idx.msk [tilespmem:v47+s10+$0x0], $0xffff;
	[tilespmem:v49+s13+$0x0] =	vst.idx.msk $0xffff, v48  }
0xa9: {  	v56 =	vadd.s32 v6, v12;
	v58 =	vadd.s32 v5, v29;
	v57 =	vld.idx.msk [tilespmem:v50+s10+$0x0], $0xffff  }
0xaa: {  	v59 =	vadd.s32 v6, v14;
	[tilespmem:v18+s13+$0x0] =	vst.idx.msk $0xffff, v17  }
0xab: {  	v8 =	vadd.s32 v7, v8;
	v17 =	vld.idx.msk [tilespmem:v19+s10+$0x0], $0xffff;
	[tilespmem:v51+s13+$0x0] =	vst.idx.msk $0xffff, v20  }
0xac: {  	v60 =	vadd.s32 v7, v11;
	v9 =	vld.idx.msk [tilespmem:v9+s10+$0x0], $0xffff;
	[tilespmem:v52+s13+$0x0] =	vst.idx.msk $0xffff, v22  }
0xad: {  	v61 =	vadd.s32 v7, v13;
	v10 =	vld.idx.msk [tilespmem:v53+s10+$0x0], $0xffff;
	[tilespmem:v55+s13+$0x0] =	vst.idx.msk $0xffff, v54  }
0xae: {  	v62 =	vadd.s32 v7, v28;
	v12 =	vld.idx.msk [tilespmem:v56+s10+$0x0], $0xffff;
	[tilespmem:v58+s13+$0x0] =	vst.idx.msk $0xffff, v57  }
0xaf: {  	v63 =	vadd.s32 v7, v29;
	[tilespmem:v16+s13+$0x0] =	vst.idx.msk $0xffff, v15;
	v14 =	vld.idx.msk [tilespmem:v59+s10+$0x0], $0xffff  }
0xb0: {  	[tilespmem:v8+s13+$0x0] =	vst.idx.msk $0xffff, v17  }
0xb1: {  	[tilespmem:v60+s13+$0x0] =	vst.idx.msk $0xffff, v9  }
0xb2: {  	[tilespmem:v61+s13+$0x0] =	vst.idx.msk $0xffff, v10  }
0xb3: {  	[tilespmem:v62+s13+$0x0] =	vst.idx.msk $0xffff, v12  }
0xb4: {  	s18 =	simm.s32 $0x15050;
	[tilespmem:v63+s13+$0x0] =	vst.idx.msk $0xffff, v14  }
0xb5: {  	[hbm4b:s8+s4] =	stream.linear.scatter [tilespmem:s18], [sflag:$0x2], $0x80, $0x38;
	[tilespmem:$0x17250] =	vst v63  }
0xb6: {  	s19 =	simm.s32 $0x150D8;
	s20 =	sadd.s32 $0x10, s8  }
0xb7: {  	[hbm4b:s20+s4] =	stream.linear.scatter [tilespmem:s19], [sflag:$0x2], $0x80, $0x38;
	[tilespmem:$0x17250] =	vst v63  }
0xb8: {  	s21 =	simm.s32 $0x15160;
	s22 =	sadd.s32 $0x20, s8;
	s23 =	simm.s32 $0x151E8  }
0xb9: {  	[hbm4b:s22+s4] =	stream.linear.scatter [tilespmem:s21], [sflag:$0x2], $0x80, $0x38;
	[tilespmem:$0x17250] =	vst v63  }
0xba: {  	s24 =	sadd.s32 $0x30, s8;
	s25 =	simm.s32 $0x15270;
	s26 =	sadd.s32 $0x40, s8  }
0xbb: {  	[hbm4b:s24+s4] =	stream.linear.scatter [tilespmem:s23], [sflag:$0x2], $0x80, $0x38;
	[tilespmem:$0x17250] =	vst v63  }
0xbc: {  	s28 =	simm.s32 $0x152F8;
	s29 =	sadd.s32 $0x50, s8;
	s30 =	simm.s32 $0x15380  }
0xbd: {  	[hbm4b:s26+s4] =	stream.linear.scatter [tilespmem:s25], [sflag:$0x2], $0x80, $0x38;
	[tilespmem:$0x17250] =	vst v63  }
0xbe: {  	s31 =	sadd.s32 $0x60, s8;
	s17 =	simm.s32 $0x440;
	s18 =	sadd.s32 $0x4000, s8  }
0xbf: {  	[hbm4b:s29+s4] =	stream.linear.scatter [tilespmem:s28], [sflag:$0x2], $0x80, $0x38;
	[tilespmem:$0x17250] =	vst v63  }
0xc0: {  	s19 =	simm.s32 $0x2200;
	s20 =	simm.s32 $0x15408;
	s21 =	sadd.s32 $0x70, s8  }
0xc1: {  	[hbm4b:s31+s4] =	stream.linear.scatter [tilespmem:s30], [sflag:$0x2], $0x80, $0x38;
	[tilespmem:$0x17250] =	vst v63  }
.LBB2_8:
0xc2: {  	[hbm4b:s21+s4] =	stream.linear.scatter [tilespmem:s20], [sflag:$0x2], $0x80, $0x38;
	[tilespmem:$0x17250] =	vst v63  }
0xc3: {  	s20 =	smov.u32 s17;
	s17 =	smov.u32 s19  }
0xc4: {  	s22 =	sadd.s32 $0x1100, s19;
	s17 =	sshra.s32 s17, $0x2;
	s21 =	sadd.s32 $0x15050, s20  }
0xc5: {  	[hbm4b:s18+s4] =	stream.linear.scatter [tilespmem:s21], [sflag:$0x2], $0x80, $0x38;
	[tilespmem:$0x17250] =	vst v63  }
0xc6: {  	p0 =	sne.s32 s19, $0x7700;
	s19 =	sadd.s32 $0x150D8, s20;
	s21 =	sadd.s32 $0x10, s18  }
0xc7: {  	[hbm4b:s21+s4] =	stream.linear.scatter [tilespmem:s19], [sflag:$0x2], $0x80, $0x38;
	[tilespmem:$0x17250] =	vst v63  }
0xc8: {  	s19 =	sadd.s32 $0x15160, s20;
	s21 =	sadd.s32 $0x20, s18  }
0xc9: {  	[hbm4b:s21+s4] =	stream.linear.scatter [tilespmem:s19], [sflag:$0x2], $0x80, $0x38;
	[tilespmem:$0x17250] =	vst v63  }
0xca: {  	s19 =	sadd.s32 $0x151E8, s20;
	s21 =	sadd.s32 $0x30, s18  }
0xcb: {  	[hbm4b:s21+s4] =	stream.linear.scatter [tilespmem:s19], [sflag:$0x2], $0x80, $0x38;
	[tilespmem:$0x17250] =	vst v63  }
0xcc: {  	s19 =	sadd.s32 $0x15270, s20;
	s21 =	sadd.s32 $0x40, s18  }
0xcd: {  	[hbm4b:s21+s4] =	stream.linear.scatter [tilespmem:s19], [sflag:$0x2], $0x80, $0x38;
	[tilespmem:$0x17250] =	vst v63  }
.Ltmp3:
0xce: {  	s19 =	sadd.s32 $0x152F8, s20;
	s21 =	sadd.s32 $0x50, s18;
	(pc) =	sbr.rel @p0 .LBB2_8-.Ltmp3, $4  }
0xcf: {  	[hbm4b:s21+s4] =	stream.linear.scatter [tilespmem:s19], [sflag:$0x2], $0x80, $0x38;
	[tilespmem:$0x17250] =	vst v63  }
0xd0: {  	s19 =	sadd.s32 $0x15380, s20;
	s21 =	sadd.s32 $0x60, s18;
	s20 =	sadd.s32 $0x15408, s20  }
0xd1: {  	[hbm4b:s21+s4] =	stream.linear.scatter [tilespmem:s19], [sflag:$0x2], $0x80, $0x38;
	[tilespmem:$0x17250] =	vst v63  }
0xd2: {  	s21 =	sadd.s32 $0x70, s18;
	s18 =	sadd.s32 $0x4000, s18;
	s19 =	smov.u32 s22  }
0xd3: {  	[hbm4b:s21+s4] =	stream.linear.scatter [tilespmem:s20], [sflag:$0x2], $0x80, $0x38;
	[tilespmem:$0x17250] =	vst v63  }
0xd4: {  	s19 =	sadd.s32 $0x15050, s17  }
0xd5: {  	[hbm4b:s18+s4] =	stream.linear.scatter [tilespmem:s19], [sflag:$0x2], $0x80, $0x38;
	[tilespmem:$0x17250] =	vst v63  }
0xd6: {  	s28 =	sadd.s32 $0x150D8, s17;
	s29 =	sadd.s32 $0x10, s18  }
0xd7: {  	[hbm4b:s29+s4] =	stream.linear.scatter [tilespmem:s28], [sflag:$0x2], $0x80, $0x38;
	[tilespmem:$0x17250] =	vst v63  }
0xd8: {  	s30 =	sadd.s32 $0x15160, s17;
	s31 =	sadd.s32 $0x20, s18  }
0xd9: {  	[hbm4b:s31+s4] =	stream.linear.scatter [tilespmem:s30], [sflag:$0x2], $0x80, $0x38;
	[tilespmem:$0x17250] =	vst v63  }
0xda: {  	s21 =	sadd.s32 $0x151E8, s17;
	s22 =	sadd.s32 $0x30, s18  }
0xdb: {  	[hbm4b:s22+s4] =	stream.linear.scatter [tilespmem:s21], [sflag:$0x2], $0x80, $0x38;
	[tilespmem:$0x17250] =	vst v63  }
0xdc: {  	s23 =	sadd.s32 $0x15270, s17;
	s24 =	sadd.s32 $0x40, s18;
	s25 =	sadd.s32 $0x152F8, s17  }
0xdd: {  	[hbm4b:s24+s4] =	stream.linear.scatter [tilespmem:s23], [sflag:$0x2], $0x80, $0x38;
	[tilespmem:$0x17250] =	vst v63  }
0xde: {  	s26 =	sadd.s32 $0x50, s18;
	s20 =	simm.s32 $0x2;
	s19 =	simm.s32 $0x3  }
0xdf: {  	[hbm4b:s26+s4] =	stream.linear.scatter [tilespmem:s25], [sflag:$0x2], $0x80, $0x38;
	[tilespmem:$0x17250] =	vst v63  }
0xe0: {  	s28 =	sadd.s32 $0x15380, s17;
	s29 =	sadd.s32 $0x60, s18;
	s30 =	sadd.s32 $0x15408, s17  }
0xe1: {  	[hbm4b:s29+s4] =	stream.linear.scatter [tilespmem:s28], [sflag:$0x2], $0x80, $0x38;
	[tilespmem:$0x17250] =	vst v63  }
0xe2: {  	s31 =	sadd.s32 $0x70, s18;
	s17 =	simm.s32 $0x1;
	s18 =	simm.s32 $0x2  }
0xe3: {  	[hbm4b:s31+s4] =	stream.linear.scatter [tilespmem:s30], [sflag:$0x2], $0x80, $0x38;
	[tilespmem:$0x17250] =	vst v63  }
.LBB2_10:
0xe4: {  	s21 =	smulhi.u32 $0x4EC4EC4F, s17  }
0xe5: {  	s22 =	smulhi.u32 $0x4EC4EC4F, s18  }
0xe6: {  	s21 =	sshrl.u32 s21, $0x2  }
0xe7: {  	s22 =	sshrl.u32 s22, $0x3;
	s21 =	smul.u32 $0x3400, s21  }
0xe8: {  	s22 =	smul.u32 $0x68, s22;
	_ =	sdelay $0x1  }
0xe9: {  	_ =	swait.ge [sflag:s14], $0x2000;
	s21 =	ssub.s32 s21, s22  }
0xea: {  	[sflag:s14] =	ssyncset.done $0x0;
	s21 =	sshra.s32 s21, $0x2  }
0xeb: {  	[sflag:s14] =	ssyncadd.s32 $0xFFFFE000;
	s23 =	sadd.s32 s21, s20  }
0xec: {  	v13 =	vld.msk [tilespmem:s23+$0x0 ss:$0x0], $0xffff;
	_ =	sdelay $0x3  }
0xed: {  	s22 =	sadd.s32 $0x1A, s23  }
0xee: {  	v16 =	vld.msk [tilespmem:s22+$0x0 ss:$0x0], $0xffff;
	v8 =	vadd.s32 v0, v13;
	_ =	sdelay $0x1  }
0xef: {  	s23 =	simm.s32 $0x0  }
0xf0: {  	s22 =	sadd.s32 $0x1A, s22;
	v10 =	vmov s23  }
0xf1: {  	v9 =	vld.msk [tilespmem:s22+$0x0 ss:$0x0], $0xffff;
	v27 =	vand.u32 $0x7F, v10  }
0xf2: {  	v14 =	vadd.s32 v1, v27;
	v12 =	vadd.s32 v0, v16;
	v11 =	vld.idx.msk [tilespmem:v8+s10+$0x0], $0xffff  }
0xf3: {  	v15 =	vadd.s32 v2, v13  }
0xf4: {  	s24 =	simm.s32 $0x1  }
0xf5: {  	s22 =	sadd.s32 $0x1A, s22;
	v8 =	vmov s24  }
0xf6: {  	v10 =	vld.msk [tilespmem:s22+$0x0 ss:$0x0], $0xffff;
	v8 =	vand.u32 $0x7F, v8  }
0xf7: {  	v17 =	vld.idx.msk [tilespmem:v12+s10+$0x0], $0xffff;
	v18 =	vadd.s32 v1, v8;
	[tilespmem:v14+s12+$0x0] =	vst.idx.msk $0xffff, v11;
	v14 =	vadd.s32 v0, v9  }
0xf8: {  	v20 =	vadd.s32 v3, v27;
	v19 =	vadd.s32 v2, v16;
	v15 =	vld.idx.msk [tilespmem:v15+s10+$0x0], $0xffff  }
0xf9: {  	s25 =	simm.s32 $0x2;
	v21 =	vadd.s32 v4, v13  }
0xfa: {  	s22 =	sadd.s32 $0x1A, s22;
	v11 =	vmov s25  }
0xfb: {  	v12 =	vld.msk [tilespmem:s22+$0x0 ss:$0x0], $0xffff;
	v11 =	vand.u32 $0x7F, v11  }
0xfc: {  	[tilespmem:v18+s12+$0x0] =	vst.idx.msk $0xffff, v17;
	v17 =	vadd.s32 v0, v10;
	v18 =	vadd.s32 v1, v11;
	v22 =	vld.idx.msk [tilespmem:v14+s10+$0x0], $0xffff  }
0xfd: {  	s26 =	smul.u32 $0x9E, s17;
	v19 =	vld.idx.msk [tilespmem:v19+s10+$0x0], $0xffff;
	[tilespmem:v20+s12+$0x0] =	vst.idx.msk $0xffff, v15;
	v15 =	vadd.s32 v2, v9;
	v20 =	vadd.s32 v3, v8  }
0xfe: {  	v30 =	vadd.s32 v5, v27;
	v29 =	vadd.s32 v4, v16;
	s25 =	simm.s32 $0x3;
	v28 =	vld.idx.msk [tilespmem:v21+s10+$0x0], $0xffff  }
0xff: {  	s23 =	sshrl.u32 s26, $0xB;
	s29 =	sadd.s32 $0x1A, s22;
	v31 =	vadd.s32 v6, v13;
	v13 =	vmov s25  }
0x100: {  	s23 =	sand.u32 $0x1F, s23;
	s24 =	smul.u32 $0x4F, s17;
	v13 =	vand.u32 $0x7F, v13;
	v14 =	vld.msk [tilespmem:s29+$0x0 ss:$0x0], $0xffff  }
0x101: {  	s28 =	simm.s32 $0x6;
	s26 =	smul.u32 $0x1A, s23;
	v26 =	vadd.s32 v0, v12;
	v25 =	vadd.s32 v1, v13;
	v21 =	vld.idx.msk [tilespmem:v17+s10+$0x0], $0xffff;
	[tilespmem:v18+s12+$0x0] =	vst.idx.msk $0xffff, v22  }
0x102: {  	s23 =	sadd.s32 s21, s19;
	v24 =	vadd.s32 v2, v10;
	s22 =	sshll.u32 s17, $0x1;
	s30 =	sshrl.u32 s24, $0xA;
	v23 =	vadd.s32 v3, v11;
	v18 =	vld.idx.msk [tilespmem:v15+s10+$0x0], $0xffff;
	[tilespmem:v20+s12+$0x0] =	vst.idx.msk $0xffff, v19  }
0x103: {  	s31 =	ssub.s32 s22, s26;
	s26 =	simm.s32 $0x4;
	s21 =	sand.u32 $0x3F, s30;
	v22 =	vadd.s32 v4, v9;
	v19 =	vadd.s32 v5, v8;
	v17 =	vld.idx.msk [tilespmem:v29+s10+$0x0], $0xffff;
	[tilespmem:v30+s12+$0x0] =	vst.idx.msk $0xffff, v28  }
0x104: {  	s24 =	sand.u32 $0xFE, s31;
	s25 =	simm.s32 $0x5;
	s29 =	sadd.s32 $0x1A, s29;
	v20 =	vadd.s32 v6, v16;
	v16 =	vadd.s32 v7, v27;
	v15 =	vld.idx.msk [tilespmem:v31+s10+$0x0], $0xffff  }
.LBB2_11:
0x105: {  	v27 =	vmov s26;
	v28 =	vmovc v14;
	v14 =	vld.msk [tilespmem:s29+$0x0 ss:$0x0], $0xffff;
	v29 =	vmovc v8;
	v8 =	vmov v11;
	v11 =	vmov v13;
	s26 =	smov.u32 s25;
	s25 =	smov.u32 s28;
	p0 =	sne.s32 s28, $0x7F  }
.Ltmp4:
0x106: {  	v13 =	vand.u32 $0x7F, v27;
	[tilespmem:v25+s12+$0x0] =	vst.idx.msk $0xffff, v21;
	v21 =	vld.idx.msk [tilespmem:v26+s10+$0x0], $0xffff;
	(pc) =	sbr.rel @p0 .LBB2_11-.Ltmp4, $4  }
0x107: {  	s28 =	sadd.s32 $0x1, s28;
	v26 =	vadd.s32 v0, v28;
	v25 =	vadd.s32 v1, v13;
	[tilespmem:v23+s12+$0x0] =	vst.idx.msk $0xffff, v18;
	v18 =	vld.idx.msk [tilespmem:v24+s10+$0x0], $0xffff  }
0x108: {  	v24 =	vadd.s32 v2, v12;
	v23 =	vadd.s32 v3, v11;
	[tilespmem:v19+s12+$0x0] =	vst.idx.msk $0xffff, v17;
	v17 =	vld.idx.msk [tilespmem:v22+s10+$0x0], $0xffff  }
0x109: {  	v22 =	vadd.s32 v4, v10;
	v19 =	vadd.s32 v5, v8;
	[tilespmem:v16+s12+$0x0] =	vst.idx.msk $0xffff, v15;
	v15 =	vld.idx.msk [tilespmem:v20+s10+$0x0], $0xffff  }
0x10a: {  	s29 =	sadd.s32 $0x1A, s29;
	v20 =	vadd.s32 v6, v9;
	v16 =	vadd.s32 v7, v29;
	v9 =	vmovc v10;
	v10 =	vmovc v12;
	v12 =	vmov v28  }
0x10b: {  	v27 =	vadd.s32 v0, v14;
	_ =	sdelay $0x1  }
0x10c: {  	v28 =	vmov s26  }
0x10d: {  	v29 =	vmov s25;
	v28 =	vand.u32 $0x7F, v28  }
0x10e: {  	v26 =	vld.idx.msk [tilespmem:v26+s10+$0x0], $0xffff;
	v29 =	vand.u32 $0x7F, v29;
	v30 =	vadd.s32 v1, v28  }
0x10f: {  	v31 =	vadd.s32 v2, v12;
	v32 =	vadd.s32 v1, v29;
	v27 =	vld.idx.msk [tilespmem:v27+s10+$0x0], $0xffff  }
0x110: {  	v33 =	vadd.s32 v2, v14;
	_ =	sdelay $0x1  }
0x111: {  	[tilespmem:v25+s12+$0x0] =	vst.idx.msk $0xffff, v21  }
0x112: {  	v43 =	vadd.s32 v3, v13;
	v21 =	vld.idx.msk [tilespmem:v24+s10+$0x0], $0xffff;
	[tilespmem:v30+s12+$0x0] =	vst.idx.msk $0xffff, v26  }
0x113: {  	v44 =	vadd.s32 v4, v10;
	v45 =	vadd.s32 v3, v28;
	v26 =	vld.idx.msk [tilespmem:v31+s10+$0x0], $0xffff;
	[tilespmem:v32+s12+$0x0] =	vst.idx.msk $0xffff, v27  }
0x114: {  	v46 =	vadd.s32 v4, v12;
	v48 =	vadd.s32 v3, v29;
	v47 =	vld.idx.msk [tilespmem:v33+s10+$0x0], $0xffff  }
0x115: {  	v49 =	vadd.s32 v4, v14  }
0x116: {  	[tilespmem:v23+s12+$0x0] =	vst.idx.msk $0xffff, v18  }
0x117: {  	v50 =	vadd.s32 v5, v11;
	v18 =	vld.idx.msk [tilespmem:v22+s10+$0x0], $0xffff;
	[tilespmem:v43+s12+$0x0] =	vst.idx.msk $0xffff, v21  }
0x118: {  	v9 =	vadd.s32 v6, v9;
	v52 =	vadd.s32 v5, v13;
	v51 =	vld.idx.msk [tilespmem:v44+s10+$0x0], $0xffff;
	[tilespmem:v45+s12+$0x0] =	vst.idx.msk $0xffff, v26  }
0x119: {  	v53 =	vadd.s32 v6, v10;
	v55 =	vadd.s32 v5, v28;
	v54 =	vld.idx.msk [tilespmem:v46+s10+$0x0], $0xffff;
	[tilespmem:v48+s12+$0x0] =	vst.idx.msk $0xffff, v47  }
0x11a: {  	v56 =	vadd.s32 v6, v12;
	v58 =	vadd.s32 v5, v29;
	v57 =	vld.idx.msk [tilespmem:v49+s10+$0x0], $0xffff  }
0x11b: {  	v59 =	vadd.s32 v6, v14;
	[tilespmem:v19+s12+$0x0] =	vst.idx.msk $0xffff, v17  }
0x11c: {  	v8 =	vadd.s32 v7, v8;
	v17 =	vld.idx.msk [tilespmem:v20+s10+$0x0], $0xffff;
	[tilespmem:v50+s12+$0x0] =	vst.idx.msk $0xffff, v18  }
0x11d: {  	v60 =	vadd.s32 v7, v11;
	v9 =	vld.idx.msk [tilespmem:v9+s10+$0x0], $0xffff;
	[tilespmem:v52+s12+$0x0] =	vst.idx.msk $0xffff, v51  }
0x11e: {  	v61 =	vadd.s32 v7, v13;
	v10 =	vld.idx.msk [tilespmem:v53+s10+$0x0], $0xffff;
	[tilespmem:v55+s12+$0x0] =	vst.idx.msk $0xffff, v54  }
0x11f: {  	v62 =	vadd.s32 v7, v28;
	v12 =	vld.idx.msk [tilespmem:v56+s10+$0x0], $0xffff;
	[tilespmem:v58+s12+$0x0] =	vst.idx.msk $0xffff, v57  }
0x120: {  	v63 =	vadd.s32 v7, v29;
	[tilespmem:v16+s12+$0x0] =	vst.idx.msk $0xffff, v15;
	v14 =	vld.idx.msk [tilespmem:v59+s10+$0x0], $0xffff  }
0x121: {  	[tilespmem:v8+s12+$0x0] =	vst.idx.msk $0xffff, v17  }
0x122: {  	s21 =	sshll.u32 s21, $0x7;
	[tilespmem:v60+s12+$0x0] =	vst.idx.msk $0xffff, v9  }
0x123: {  	s21 =	sadd.s32 s5, s21;
	[tilespmem:v61+s12+$0x0] =	vst.idx.msk $0xffff, v10  }
0x124: {  	s24 =	sshll.u32 s24, $0x11;
	s31 =	sadd.s32 s3, s21;
	[tilespmem:v62+s12+$0x0] =	vst.idx.msk $0xffff, v12  }
0x125: {  	s26 =	simm.s32 $0x12E50;
	s25 =	sadd.s32 s24, s31;
	[tilespmem:v63+s12+$0x0] =	vst.idx.msk $0xffff, v14  }
0x126: {  	[hbm4b:s25+s4] =	stream.linear.scatter [tilespmem:s26], [sflag:$0x1], $0x80, $0x38;
	[tilespmem:$0x17250] =	vst v63  }
0x127: {  	s30 =	simm.s32 $0x12ED8;
	s31 =	sadd.s32 $0x10, s25  }
0x128: {  	[hbm4b:s31+s4] =	stream.linear.scatter [tilespmem:s30], [sflag:$0x1], $0x80, $0x38;
	[tilespmem:$0x17250] =	vst v63  }
0x129: {  	s28 =	simm.s32 $0x13208;
	s30 =	simm.s32 $0x12F60;
	s31 =	sadd.s32 $0x20, s25  }
0x12a: {  	[hbm4b:s31+s4] =	stream.linear.scatter [tilespmem:s30], [sflag:$0x1], $0x80, $0x38;
	[tilespmem:$0x17250] =	vst v63  }
0x12b: {  	s24 =	simm.s32 $0x440;
	s30 =	simm.s32 $0x12FE8;
	s31 =	sadd.s32 $0x30, s25  }
0x12c: {  	[hbm4b:s31+s4] =	stream.linear.scatter [tilespmem:s30], [sflag:$0x1], $0x80, $0x38;
	[tilespmem:$0x17250] =	vst v63  }
0x12d: {  	s29 =	sadd.s32 $0x70, s25;
	s30 =	simm.s32 $0x13070;
	s31 =	sadd.s32 $0x40, s25  }
0x12e: {  	[hbm4b:s31+s4] =	stream.linear.scatter [tilespmem:s30], [sflag:$0x1], $0x80, $0x38;
	[tilespmem:$0x17250] =	vst v63  }
0x12f: {  	s26 =	simm.s32 $0x2200;
	s30 =	simm.s32 $0x130F8;
	s31 =	sadd.s32 $0x50, s25  }
0x130: {  	[hbm4b:s31+s4] =	stream.linear.scatter [tilespmem:s30], [sflag:$0x1], $0x80, $0x38;
	[tilespmem:$0x17250] =	vst v63  }
0x131: {  	s30 =	simm.s32 $0x13180;
	s31 =	sadd.s32 $0x60, s25;
	s25 =	sadd.s32 $0x4000, s25  }
0x132: {  	[hbm4b:s31+s4] =	stream.linear.scatter [tilespmem:s30], [sflag:$0x1], $0x80, $0x38;
	[tilespmem:$0x17250] =	vst v63  }
.LBB2_13:
0x133: {  	[hbm4b:s29+s4] =	stream.linear.scatter [tilespmem:s28], [sflag:$0x1], $0x80, $0x38;
	[tilespmem:$0x17250] =	vst v63  }
0x134: {  	s28 =	smov.u32 s24;
	s24 =	smov.u32 s26  }
0x135: {  	s30 =	sadd.s32 $0x1100, s26;
	s24 =	sshra.s32 s24, $0x2;
	s29 =	sadd.s32 $0x12E50, s28  }
0x136: {  	[hbm4b:s25+s4] =	stream.linear.scatter [tilespmem:s29], [sflag:$0x1], $0x80, $0x38;
	[tilespmem:$0x17250] =	vst v63  }
0x137: {  	p0 =	sne.s32 s26, $0x7700;
	s26 =	sadd.s32 $0x12ED8, s28;
	s29 =	sadd.s32 $0x10, s25  }
0x138: {  	[hbm4b:s29+s4] =	stream.linear.scatter [tilespmem:s26], [sflag:$0x1], $0x80, $0x38;
	[tilespmem:$0x17250] =	vst v63  }
0x139: {  	s26 =	sadd.s32 $0x12F60, s28;
	s29 =	sadd.s32 $0x20, s25  }
0x13a: {  	[hbm4b:s29+s4] =	stream.linear.scatter [tilespmem:s26], [sflag:$0x1], $0x80, $0x38;
	[tilespmem:$0x17250] =	vst v63  }
0x13b: {  	s26 =	sadd.s32 $0x12FE8, s28;
	s29 =	sadd.s32 $0x30, s25  }
0x13c: {  	[hbm4b:s29+s4] =	stream.linear.scatter [tilespmem:s26], [sflag:$0x1], $0x80, $0x38;
	[tilespmem:$0x17250] =	vst v63  }
0x13d: {  	s26 =	sadd.s32 $0x13070, s28;
	s29 =	sadd.s32 $0x40, s25  }
0x13e: {  	[hbm4b:s29+s4] =	stream.linear.scatter [tilespmem:s26], [sflag:$0x1], $0x80, $0x38;
	[tilespmem:$0x17250] =	vst v63  }
.Ltmp5:
0x13f: {  	s26 =	sadd.s32 $0x130F8, s28;
	s29 =	sadd.s32 $0x50, s25;
	(pc) =	sbr.rel @p0 .LBB2_13-.Ltmp5, $4  }
0x140: {  	[hbm4b:s29+s4] =	stream.linear.scatter [tilespmem:s26], [sflag:$0x1], $0x80, $0x38;
	[tilespmem:$0x17250] =	vst v63  }
0x141: {  	s26 =	sadd.s32 $0x13180, s28;
	s29 =	sadd.s32 $0x60, s25;
	s28 =	sadd.s32 $0x13208, s28  }
0x142: {  	[hbm4b:s29+s4] =	stream.linear.scatter [tilespmem:s26], [sflag:$0x1], $0x80, $0x38;
	[tilespmem:$0x17250] =	vst v63  }
0x143: {  	s29 =	sadd.s32 $0x70, s25;
	s25 =	sadd.s32 $0x4000, s25;
	s26 =	smov.u32 s30  }
0x144: {  	[hbm4b:s29+s4] =	stream.linear.scatter [tilespmem:s28], [sflag:$0x1], $0x80, $0x38;
	[tilespmem:$0x17250] =	vst v63  }
0x145: {  	s26 =	sadd.s32 $0x12E50, s24  }
0x146: {  	[hbm4b:s25+s4] =	stream.linear.scatter [tilespmem:s26], [sflag:$0x1], $0x80, $0x38;
	[tilespmem:$0x17250] =	vst v63  }
0x147: {  	s29 =	sadd.s32 $0x12ED8, s24;
	s30 =	sadd.s32 $0x10, s25  }
0x148: {  	[hbm4b:s30+s4] =	stream.linear.scatter [tilespmem:s29], [sflag:$0x1], $0x80, $0x38;
	[tilespmem:$0x17250] =	vst v63  }
0x149: {  	s31 =	sadd.s32 $0x12F60, s24;
	s29 =	sadd.s32 $0x20, s25  }
0x14a: {  	[hbm4b:s29+s4] =	stream.linear.scatter [tilespmem:s31], [sflag:$0x1], $0x80, $0x38;
	[tilespmem:$0x17250] =	vst v63  }
0x14b: {  	s30 =	sadd.s32 $0x12FE8, s24;
	s31 =	sadd.s32 $0x30, s25  }
0x14c: {  	[hbm4b:s31+s4] =	stream.linear.scatter [tilespmem:s30], [sflag:$0x1], $0x80, $0x38;
	[tilespmem:$0x17250] =	vst v63  }
0x14d: {  	s29 =	sadd.s32 $0x13070, s24;
	s30 =	sadd.s32 $0x40, s25  }
0x14e: {  	[hbm4b:s30+s4] =	stream.linear.scatter [tilespmem:s29], [sflag:$0x1], $0x80, $0x38;
	[tilespmem:$0x17250] =	vst v63  }
0x14f: {  	s31 =	sadd.s32 $0x130F8, s24;
	s29 =	sadd.s32 $0x50, s25  }
0x150: {  	[hbm4b:s29+s4] =	stream.linear.scatter [tilespmem:s31], [sflag:$0x1], $0x80, $0x38;
	[tilespmem:$0x17250] =	vst v63  }
0x151: {  	s30 =	sadd.s32 $0x13180, s24;
	s31 =	sadd.s32 $0x60, s25  }
0x152: {  	[hbm4b:s31+s4] =	stream.linear.scatter [tilespmem:s30], [sflag:$0x1], $0x80, $0x38;
	[tilespmem:$0x17250] =	vst v63  }
0x153: {  	s28 =	sadd.s32 $0x13208, s24;
	s29 =	sadd.s32 $0x70, s25  }
0x154: {  	[hbm4b:s29+s4] =	stream.linear.scatter [tilespmem:s28], [sflag:$0x1], $0x80, $0x38;
	[tilespmem:$0x17250] =	vst v63  }
0x155: {  	_ =	swait.ge [sflag:s15], $0x2000  }
0x156: {  	[sflag:s15] =	ssyncset.done $0x0  }
0x157: {  	[sflag:s15] =	ssyncadd.s32 $0xFFFFE000  }
0x158: {  	v13 =	vld.msk [tilespmem:s23+$0x0 ss:$0x0], $0xffff;
	_ =	sdelay $0x3  }
0x159: {  	s30 =	sadd.s32 $0x1A, s23  }
0x15a: {  	v16 =	vld.msk [tilespmem:s30+$0x0 ss:$0x0], $0xffff;
	v8 =	vadd.s32 v0, v13;
	_ =	sdelay $0x1  }
0x15b: {  	s31 =	simm.s32 $0x0  }
0x15c: {  	v10 =	vmov s31;
	s23 =	sadd.s32 $0x1A, s30  }
0x15d: {  	v27 =	vand.u32 $0x7F, v10;
	v9 =	vld.msk [tilespmem:s23+$0x0 ss:$0x0], $0xffff  }
0x15e: {  	v14 =	vadd.s32 v1, v27;
	v12 =	vadd.s32 v0, v16;
	v11 =	vld.idx.msk [tilespmem:v8+s10+$0x0], $0xffff  }
0x15f: {  	v15 =	vadd.s32 v2, v13  }
0x160: {  	s25 =	simm.s32 $0x1  }
0x161: {  	s23 =	sadd.s32 $0x1A, s23;
	v8 =	vmov s25  }
0x162: {  	v10 =	vld.msk [tilespmem:s23+$0x0 ss:$0x0], $0xffff;
	v8 =	vand.u32 $0x7F, v8  }
0x163: {  	v17 =	vld.idx.msk [tilespmem:v12+s10+$0x0], $0xffff;
	v18 =	vadd.s32 v1, v8;
	[tilespmem:v14+s13+$0x0] =	vst.idx.msk $0xffff, v11;
	v14 =	vadd.s32 v0, v9  }
0x164: {  	v20 =	vadd.s32 v3, v27;
	v19 =	vadd.s32 v2, v16;
	v15 =	vld.idx.msk [tilespmem:v15+s10+$0x0], $0xffff  }
0x165: {  	s26 =	simm.s32 $0x2;
	v21 =	vadd.s32 v4, v13  }
0x166: {  	s23 =	sadd.s32 $0x1A, s23;
	v11 =	vmov s26  }
0x167: {  	v12 =	vld.msk [tilespmem:s23+$0x0 ss:$0x0], $0xffff;
	v11 =	vand.u32 $0x7F, v11  }
0x168: {  	[tilespmem:v18+s13+$0x0] =	vst.idx.msk $0xffff, v17;
	v17 =	vadd.s32 v0, v10;
	v18 =	vadd.s32 v1, v11;
	v22 =	vld.idx.msk [tilespmem:v14+s10+$0x0], $0xffff  }
0x169: {  	v23 =	vadd.s32 v3, v8;
	v19 =	vld.idx.msk [tilespmem:v19+s10+$0x0], $0xffff;
	[tilespmem:v20+s13+$0x0] =	vst.idx.msk $0xffff, v15;
	v15 =	vadd.s32 v2, v9  }
0x16a: {  	s22 =	sor.u32 $0x1, s22;
	s29 =	simm.s32 $0x3;
	v30 =	vadd.s32 v5, v27;
	v29 =	vadd.s32 v4, v16;
	v28 =	vld.idx.msk [tilespmem:v21+s10+$0x0], $0xffff  }
0x16b: {  	s28 =	smulhi.u32 $0x4EC4EC4F, s22;
	s30 =	sadd.s32 $0x1A, s23;
	v31 =	vadd.s32 v6, v13;
	v13 =	vmov s29  }
0x16c: {  	v13 =	vand.u32 $0x7F, v13;
	v14 =	vld.msk [tilespmem:s30+$0x0 ss:$0x0], $0xffff  }
0x16d: {  	s31 =	sshrl.u32 s28, $0x3;
	v25 =	vadd.s32 v1, v13;
	v26 =	vadd.s32 v0, v12;
	v21 =	vld.idx.msk [tilespmem:v17+s10+$0x0], $0xffff;
	[tilespmem:v18+s13+$0x0] =	vst.idx.msk $0xffff, v22  }
0x16e: {  	v24 =	vadd.s32 v2, v10;
	s23 =	smul.u32 $0x1A, s31;
	[tilespmem:v23+s13+$0x0] =	vst.idx.msk $0xffff, v19;
	v23 =	vadd.s32 v3, v11;
	v20 =	vld.idx.msk [tilespmem:v15+s10+$0x0], $0xffff  }
0x16f: {  	s24 =	simm.s32 $0x4;
	s25 =	simm.s32 $0x6;
	v17 =	vld.idx.msk [tilespmem:v29+s10+$0x0], $0xffff;
	v22 =	vadd.s32 v4, v9;
	v18 =	vadd.s32 v5, v8;
	[tilespmem:v30+s13+$0x0] =	vst.idx.msk $0xffff, v28  }
0x170: {  	s22 =	ssub.s32 s22, s23;
	s23 =	simm.s32 $0x5;
	s26 =	sadd.s32 $0x1A, s30;
	v19 =	vadd.s32 v6, v16;
	v16 =	vadd.s32 v7, v27;
	v15 =	vld.idx.msk [tilespmem:v31+s10+$0x0], $0xffff  }
.LBB2_15:
0x171: {  	v27 =	vmov s24;
	v28 =	vmovc v14;
	v14 =	vld.msk [tilespmem:s26+$0x0 ss:$0x0], $0xffff;
	v29 =	vmovc v8;
	v8 =	vmov v11;
	v11 =	vmov v13;
	s24 =	smov.u32 s23;
	s23 =	smov.u32 s25;
	p0 =	sne.s32 s25, $0x7F  }
.Ltmp6:
0x172: {  	v13 =	vand.u32 $0x7F, v27;
	[tilespmem:v25+s13+$0x0] =	vst.idx.msk $0xffff, v21;
	v21 =	vld.idx.msk [tilespmem:v26+s10+$0x0], $0xffff;
	(pc) =	sbr.rel @p0 .LBB2_15-.Ltmp6, $4  }
0x173: {  	s25 =	sadd.s32 $0x1, s25;
	v26 =	vadd.s32 v0, v28;
	v25 =	vadd.s32 v1, v13;
	[tilespmem:v23+s13+$0x0] =	vst.idx.msk $0xffff, v20;
	v20 =	vld.idx.msk [tilespmem:v24+s10+$0x0], $0xffff  }
0x174: {  	v24 =	vadd.s32 v2, v12;
	v23 =	vadd.s32 v3, v11;
	[tilespmem:v18+s13+$0x0] =	vst.idx.msk $0xffff, v17;
	v17 =	vld.idx.msk [tilespmem:v22+s10+$0x0], $0xffff  }
0x175: {  	v22 =	vadd.s32 v4, v10;
	v18 =	vadd.s32 v5, v8;
	[tilespmem:v16+s13+$0x0] =	vst.idx.msk $0xffff, v15;
	v15 =	vld.idx.msk [tilespmem:v19+s10+$0x0], $0xffff  }
0x176: {  	s26 =	sadd.s32 $0x1A, s26;
	v19 =	vadd.s32 v6, v9;
	v16 =	vadd.s32 v7, v29;
	v9 =	vmovc v10;
	v10 =	vmovc v12;
	v12 =	vmov v28  }
0x177: {  	v27 =	vadd.s32 v0, v14;
	_ =	sdelay $0x1  }
0x178: {  	v28 =	vmov s24  }
0x179: {  	v29 =	vmov s23;
	v28 =	vand.u32 $0x7F, v28  }
0x17a: {  	v26 =	vld.idx.msk [tilespmem:v26+s10+$0x0], $0xffff;
	v29 =	vand.u32 $0x7F, v29;
	v30 =	vadd.s32 v1, v28  }
0x17b: {  	v31 =	vadd.s32 v2, v12;
	v32 =	vadd.s32 v1, v29;
	v27 =	vld.idx.msk [tilespmem:v27+s10+$0x0], $0xffff  }
0x17c: {  	v33 =	vadd.s32 v2, v14;
	_ =	sdelay $0x1  }
0x17d: {  	[tilespmem:v25+s13+$0x0] =	vst.idx.msk $0xffff, v21  }
0x17e: {  	v43 =	vadd.s32 v3, v13;
	v21 =	vld.idx.msk [tilespmem:v24+s10+$0x0], $0xffff;
	[tilespmem:v30+s13+$0x0] =	vst.idx.msk $0xffff, v26  }
0x17f: {  	v44 =	vadd.s32 v4, v10;
	v45 =	vadd.s32 v3, v28;
	v26 =	vld.idx.msk [tilespmem:v31+s10+$0x0], $0xffff;
	[tilespmem:v32+s13+$0x0] =	vst.idx.msk $0xffff, v27  }
0x180: {  	v46 =	vadd.s32 v4, v12;
	v48 =	vadd.s32 v3, v29;
	v47 =	vld.idx.msk [tilespmem:v33+s10+$0x0], $0xffff  }
0x181: {  	v49 =	vadd.s32 v4, v14  }
0x182: {  	[tilespmem:v23+s13+$0x0] =	vst.idx.msk $0xffff, v20  }
0x183: {  	v50 =	vadd.s32 v5, v11;
	v20 =	vld.idx.msk [tilespmem:v22+s10+$0x0], $0xffff;
	[tilespmem:v43+s13+$0x0] =	vst.idx.msk $0xffff, v21  }
0x184: {  	v9 =	vadd.s32 v6, v9;
	v52 =	vadd.s32 v5, v13;
	v51 =	vld.idx.msk [tilespmem:v44+s10+$0x0], $0xffff;
	[tilespmem:v45+s13+$0x0] =	vst.idx.msk $0xffff, v26  }
0x185: {  	v53 =	vadd.s32 v6, v10;
	v55 =	vadd.s32 v5, v28;
	v54 =	vld.idx.msk [tilespmem:v46+s10+$0x0], $0xffff;
	[tilespmem:v48+s13+$0x0] =	vst.idx.msk $0xffff, v47  }
0x186: {  	v56 =	vadd.s32 v6, v12;
	v58 =	vadd.s32 v5, v29;
	v57 =	vld.idx.msk [tilespmem:v49+s10+$0x0], $0xffff  }
0x187: {  	v59 =	vadd.s32 v6, v14;
	[tilespmem:v18+s13+$0x0] =	vst.idx.msk $0xffff, v17  }
0x188: {  	v8 =	vadd.s32 v7, v8;
	v17 =	vld.idx.msk [tilespmem:v19+s10+$0x0], $0xffff;
	[tilespmem:v50+s13+$0x0] =	vst.idx.msk $0xffff, v20  }
0x189: {  	v60 =	vadd.s32 v7, v11;
	v9 =	vld.idx.msk [tilespmem:v9+s10+$0x0], $0xffff;
	[tilespmem:v52+s13+$0x0] =	vst.idx.msk $0xffff, v51  }
0x18a: {  	v61 =	vadd.s32 v7, v13;
	v10 =	vld.idx.msk [tilespmem:v53+s10+$0x0], $0xffff;
	[tilespmem:v55+s13+$0x0] =	vst.idx.msk $0xffff, v54  }
0x18b: {  	v62 =	vadd.s32 v7, v28;
	v12 =	vld.idx.msk [tilespmem:v56+s10+$0x0], $0xffff;
	[tilespmem:v58+s13+$0x0] =	vst.idx.msk $0xffff, v57  }
0x18c: {  	v63 =	vadd.s32 v7, v29;
	[tilespmem:v16+s13+$0x0] =	vst.idx.msk $0xffff, v15;
	v14 =	vld.idx.msk [tilespmem:v59+s10+$0x0], $0xffff  }
0x18d: {  	[tilespmem:v8+s13+$0x0] =	vst.idx.msk $0xffff, v17  }
0x18e: {  	[tilespmem:v60+s13+$0x0] =	vst.idx.msk $0xffff, v9  }
0x18f: {  	s22 =	sshll.u32 s22, $0x11;
	[tilespmem:v61+s13+$0x0] =	vst.idx.msk $0xffff, v10  }
0x190: {  	s22 =	sadd.s32 s3, s22;
	[tilespmem:v62+s13+$0x0] =	vst.idx.msk $0xffff, v12  }
0x191: {  	s26 =	simm.s32 $0x15050;
	s22 =	sadd.s32 s21, s22;
	[tilespmem:v63+s13+$0x0] =	vst.idx.msk $0xffff, v14  }
0x192: {  	[hbm4b:s22+s4] =	stream.linear.scatter [tilespmem:s26], [sflag:$0x2], $0x80, $0x38;
	[tilespmem:$0x17250] =	vst v63  }
0x193: {  	s28 =	simm.s32 $0x150D8;
	s29 =	sadd.s32 $0x10, s22  }
0x194: {  	[hbm4b:s29+s4] =	stream.linear.scatter [tilespmem:s28], [sflag:$0x2], $0x80, $0x38;
	[tilespmem:$0x17250] =	vst v63  }
0x195: {  	s30 =	simm.s32 $0x15160;
	s23 =	simm.s32 $0x151E8;
	s31 =	sadd.s32 $0x20, s22  }
0x196: {  	[hbm4b:s31+s4] =	stream.linear.scatter [tilespmem:s30], [sflag:$0x2], $0x80, $0x38;
	[tilespmem:$0x17250] =	vst v63  }
0x197: {  	s25 =	simm.s32 $0x15270;
	s21 =	simm.s32 $0x440;
	s24 =	sadd.s32 $0x30, s22  }
0x198: {  	[hbm4b:s24+s4] =	stream.linear.scatter [tilespmem:s23], [sflag:$0x2], $0x80, $0x38;
	[tilespmem:$0x17250] =	vst v63  }
0x199: {  	s26 =	sadd.s32 $0x40, s22;
	s28 =	simm.s32 $0x152F8;
	s29 =	sadd.s32 $0x50, s22  }
0x19a: {  	[hbm4b:s26+s4] =	stream.linear.scatter [tilespmem:s25], [sflag:$0x2], $0x80, $0x38;
	[tilespmem:$0x17250] =	vst v63  }
0x19b: {  	s30 =	simm.s32 $0x15380;
	s31 =	sadd.s32 $0x60, s22;
	s23 =	simm.s32 $0x2200  }
0x19c: {  	[hbm4b:s29+s4] =	stream.linear.scatter [tilespmem:s28], [sflag:$0x2], $0x80, $0x38;
	[tilespmem:$0x17250] =	vst v63  }
0x19d: {  	s24 =	simm.s32 $0x15408;
	s25 =	sadd.s32 $0x70, s22;
	s22 =	sadd.s32 $0x4000, s22  }
0x19e: {  	[hbm4b:s31+s4] =	stream.linear.scatter [tilespmem:s30], [sflag:$0x2], $0x80, $0x38;
	[tilespmem:$0x17250] =	vst v63  }
.LBB2_17:
0x19f: {  	[hbm4b:s25+s4] =	stream.linear.scatter [tilespmem:s24], [sflag:$0x2], $0x80, $0x38;
	[tilespmem:$0x17250] =	vst v63  }
0x1a0: {  	s24 =	smov.u32 s21;
	s21 =	smov.u32 s23  }
0x1a1: {  	s26 =	sadd.s32 $0x1100, s23;
	s21 =	sshra.s32 s21, $0x2;
	s25 =	sadd.s32 $0x15050, s24  }
0x1a2: {  	[hbm4b:s22+s4] =	stream.linear.scatter [tilespmem:s25], [sflag:$0x2], $0x80, $0x38;
	[tilespmem:$0x17250] =	vst v63  }
0x1a3: {  	p0 =	sne.s32 s23, $0x7700;
	s23 =	sadd.s32 $0x150D8, s24;
	s25 =	sadd.s32 $0x10, s22  }
0x1a4: {  	[hbm4b:s25+s4] =	stream.linear.scatter [tilespmem:s23], [sflag:$0x2], $0x80, $0x38;
	[tilespmem:$0x17250] =	vst v63  }
0x1a5: {  	s23 =	sadd.s32 $0x15160, s24;
	s25 =	sadd.s32 $0x20, s22  }
0x1a6: {  	[hbm4b:s25+s4] =	stream.linear.scatter [tilespmem:s23], [sflag:$0x2], $0x80, $0x38;
	[tilespmem:$0x17250] =	vst v63  }
0x1a7: {  	s23 =	sadd.s32 $0x151E8, s24;
	s25 =	sadd.s32 $0x30, s22  }
0x1a8: {  	[hbm4b:s25+s4] =	stream.linear.scatter [tilespmem:s23], [sflag:$0x2], $0x80, $0x38;
	[tilespmem:$0x17250] =	vst v63  }
0x1a9: {  	s23 =	sadd.s32 $0x15270, s24;
	s25 =	sadd.s32 $0x40, s22  }
0x1aa: {  	[hbm4b:s25+s4] =	stream.linear.scatter [tilespmem:s23], [sflag:$0x2], $0x80, $0x38;
	[tilespmem:$0x17250] =	vst v63  }
.Ltmp7:
0x1ab: {  	s23 =	sadd.s32 $0x152F8, s24;
	s25 =	sadd.s32 $0x50, s22;
	(pc) =	sbr.rel @p0 .LBB2_17-.Ltmp7, $4  }
0x1ac: {  	[hbm4b:s25+s4] =	stream.linear.scatter [tilespmem:s23], [sflag:$0x2], $0x80, $0x38;
	[tilespmem:$0x17250] =	vst v63  }
0x1ad: {  	s23 =	sadd.s32 $0x15380, s24;
	s25 =	sadd.s32 $0x60, s22;
	s24 =	sadd.s32 $0x15408, s24  }
0x1ae: {  	[hbm4b:s25+s4] =	stream.linear.scatter [tilespmem:s23], [sflag:$0x2], $0x80, $0x38;
	[tilespmem:$0x17250] =	vst v63  }
0x1af: {  	s25 =	sadd.s32 $0x70, s22;
	s22 =	sadd.s32 $0x4000, s22;
	s23 =	smov.u32 s26  }
0x1b0: {  	[hbm4b:s25+s4] =	stream.linear.scatter [tilespmem:s24], [sflag:$0x2], $0x80, $0x38;
	[tilespmem:$0x17250] =	vst v63  }
0x1b1: {  	s23 =	sadd.s32 $0x15050, s21  }
0x1b2: {  	[hbm4b:s22+s4] =	stream.linear.scatter [tilespmem:s23], [sflag:$0x2], $0x80, $0x38;
	[tilespmem:$0x17250] =	vst v63  }
0x1b3: {  	s30 =	sadd.s32 $0x150D8, s21;
	s31 =	sadd.s32 $0x10, s22  }
0x1b4: {  	[hbm4b:s31+s4] =	stream.linear.scatter [tilespmem:s30], [sflag:$0x2], $0x80, $0x38;
	[tilespmem:$0x17250] =	vst v63  }
0x1b5: {  	s25 =	sadd.s32 $0x15160, s21;
	s26 =	sadd.s32 $0x20, s22  }
0x1b6: {  	[hbm4b:s26+s4] =	stream.linear.scatter [tilespmem:s25], [sflag:$0x2], $0x80, $0x38;
	[tilespmem:$0x17250] =	vst v63  }
0x1b7: {  	s28 =	sadd.s32 $0x151E8, s21;
	s29 =	sadd.s32 $0x30, s22  }
0x1b8: {  	[hbm4b:s29+s4] =	stream.linear.scatter [tilespmem:s28], [sflag:$0x2], $0x80, $0x38;
	[tilespmem:$0x17250] =	vst v63  }
0x1b9: {  	s17 =	sadd.s32 $0x1, s17;
	s30 =	sadd.s32 $0x15270, s21;
	s31 =	sadd.s32 $0x40, s22  }
0x1ba: {  	[hbm4b:s31+s4] =	stream.linear.scatter [tilespmem:s30], [sflag:$0x2], $0x80, $0x38;
	[tilespmem:$0x17250] =	vst v63  }
0x1bb: {  	p0 =	sne.s32 s17, $0x34;
	s25 =	sadd.s32 $0x152F8, s21;
	s26 =	sadd.s32 $0x50, s22  }
0x1bc: {  	[hbm4b:s26+s4] =	stream.linear.scatter [tilespmem:s25], [sflag:$0x2], $0x80, $0x38;
	[tilespmem:$0x17250] =	vst v63  }
.Ltmp8:
0x1bd: {  	s20 =	sadd.s32 $0x2, s20;
	(pc) =	sbr.rel @p0 .LBB2_10-.Ltmp8, $4  }
0x1be: {  	s18 =	sadd.s32 $0x2, s18;
	s28 =	sadd.s32 $0x15380, s21;
	s29 =	sadd.s32 $0x60, s22  }
0x1bf: {  	[hbm4b:s29+s4] =	stream.linear.scatter [tilespmem:s28], [sflag:$0x2], $0x80, $0x38;
	[tilespmem:$0x17250] =	vst v63  }
0x1c0: {  	s19 =	sadd.s32 $0x2, s19;
	s30 =	sadd.s32 $0x15408, s21;
	s31 =	sadd.s32 $0x70, s22  }
0x1c1: {  	[hbm4b:s31+s4] =	stream.linear.scatter [tilespmem:s30], [sflag:$0x2], $0x80, $0x38;
	[tilespmem:$0x17250] =	vst v63  }
0x1c2: {  	s16 =	sadd.s32 $0x1, s16  }
0x1c3: {  	_ =	swait.ge [sflag:s14], $0x2000;
	p0 =	sne.s32 s16, s9  }
.Ltmp9:
0x1c4: {  	[sflag:s14] =	ssyncset.done $0x0;
	(pc) =	sbr.rel @p0 .LBB2_1-.Ltmp9, $4  }
0x1c5: {  	[sflag:s14] =	ssyncadd.s32 $0xFFFFE000  }
0x1c6: {  	_ =	swait.ge [sflag:s15], $0x2000  }
0x1c7: {  	[sflag:s15] =	ssyncset.done $0x0  }
0x1c8: {  	[sflag:s15] =	ssyncadd.s32 $0xFFFFE000  }
0x1c9: {  	_ =	sfence.sel $0x180000  }
0x1ca: {  	[bflag:$0x0] =	sbarrier.arrive $0xFFFF  }
0x1cb: {  	p0 =	sne.s32 s0, $0x0;
	_ =	strace $0x90000047  }
0x1cc: {  	s0 =	sadd.s32 @!p0 $0x100000, s1;
	[bflag:$0x2] =	sbarrier.arrive $0xFFFF  }
0x1cd: {  	[sflag:s0] =	ssyncadd.tile.s32 @!p0 $0x1;
	_ =	shalt  }
.Lfunc_end2:
_tile_overlayer_lowered:
.L_overlay_start_2:
0x1ce: {  	(tag) =	ssettag $0x2  }
0x1cf: {  	s0 =	rddreg [dreg:$0x0];
	s2 =	stileid.u32  }
0x1d0: {  	s1 =	rddreg [dreg:$0x1];
	p0 =	sne.s32 s2, $0x0  }
0x1d1: {  	s3 =	rddreg [dreg:$0x2];
	[bflag:$0x3] =	sbarrier.arrive $0xFFFF;
	s2 =	simm.s32 @!p0 $0x1C03  }
0x1d2: {  	[timem:s3], [sflag:s2] =	dma.local @!p0 [hbm:s0], s1  }
0x1d3: {  	s0 =	simm.s32 @!p0 $0x3  }
0x1d4: {  	_ =	swait.ge @!p0 [sflag:s0], s1  }
0x1d5: {  	s1 =	ssub.s32 @!p0 $0x0, s1;
	[sflag:s0] =	ssyncset.done @!p0 $0x0  }
0x1d6: {  	[sflag:s0] =	ssyncadd.s32 @!p0 s1  }
0x1d7: {  	[bflag:$0x3] =	sbarrier.arrive $0xFFFF  }
0x1d8: {  	_ =	shalt  }

</sc_bundles>
